<compile_context>
chip_gen: v7x
topology: tpu7x:2x2x1
jax: 0.10.2.dev20260603
libtpu: 0.0.44.dev20260713+nightly
codegen_flags: <defaults>
</compile_context>

<pallas_src>
import functools

import jax
import jax.numpy as jnp
from jax import lax
from jax.experimental import pallas as pl
from jax.experimental.pallas import tpu as pltpu
from jax.experimental.pallas import tpu_sc as plsc

N_NODES = 10000
N_EDGES = 320000
D_FEAT = 128
EMBED = 128
NUM_GRAPHS = 64

NC = 2
NS = 16
NW = NC * NS
CHUNK = 128
N_STREAMS = (N_EDGES + CHUNK - 1) // CHUNK
S_PER_W = ((N_STREAMS + NW - 1) // NW + 7) // 8 * 8
N_STREAMS_PAD = S_PER_W * NW
E_PAD = N_STREAMS_PAD * CHUNK

N_PAD = 10112
ROWS_PER_TILE = N_PAD // NS
NBUF = 2
PKD = EMBED // 2


def _tc_linear_body(x_ref, w_ref, b_ref, y_ref):
    y = lax.dot_general(
        x_ref[...], w_ref[...],
        dimension_numbers=(((1,), (1,)), ((), ())),
        preferred_element_type=jnp.float32,
    ) + b_ref[...]
    yb = y.astype(jnp.bfloat16)
    lo = lax.bitcast_convert_type(yb[:, :PKD], jnp.uint16).astype(jnp.int32)
    hi = lax.bitcast_convert_type(yb[:, PKD:], jnp.uint16).astype(jnp.int32)
    y_ref[...] = jnp.bitwise_or(lo, lax.shift_left(hi, 16))


def _tc_linear_packed(x_pad, W, b):
    return pl.pallas_call(
        _tc_linear_body,
        out_shape=jax.ShapeDtypeStruct((N_PAD, PKD), jnp.int32),
    )(x_pad, W, b.reshape(1, EMBED))


def _sc_aggregate(y_packed, packed_idx, zblk):
    mesh = plsc.VectorSubcoreMesh(core_axis_name="c", subcore_axis_name="s")

    @functools.partial(
        pl.kernel,
        out_type=jax.ShapeDtypeStruct((NC, N_PAD, EMBED), jnp.float32),
        mesh=mesh,
        compiler_params=pltpu.CompilerParams(use_tc_tiling_on_sc=False),
        scratch_types=[
            pltpu.VMEM((S_PER_W, CHUNK), jnp.int32),
            pltpu.VMEM((NBUF, CHUNK), jnp.int32),
            pltpu.VMEM((NBUF, CHUNK), jnp.int32),
            pltpu.VMEM((NBUF, CHUNK, PKD), jnp.int32),
            pltpu.VMEM((CHUNK, EMBED), jnp.float32),
            pltpu.VMEM_SHARED((N_PAD, EMBED), jnp.float32),
            [pltpu.SemaphoreType.DMA] * NBUF,
        ],
    )
    def k(y_hbm, pidx_hbm, zeros_hbm, out_hbm,
          pidx_v, sidx_v, didx_v, buf_v, sbuf_v, acc_sh, gsems):
        c = lax.axis_index("c")
        s = lax.axis_index("s")
        wid = s * NC + c

        zrow = s * ROWS_PER_TILE

        base = wid * S_PER_W
        pltpu.sync_copy(pidx_hbm.at[pl.ds(base, S_PER_W)], pidx_v)

        def start_gather(j, b):
            for t in range(CHUNK // 16):
                w = pidx_v[j, pl.ds(t * 16, 16)]
                sidx_v[b, pl.ds(t * 16, 16)] = w & 0xFFFF
                didx_v[b, pl.ds(t * 16, 16)] = lax.shift_right_logical(w, 16)
            pltpu.async_copy(y_hbm.at[sidx_v.at[b]], buf_v.at[b], gsems[b])

        def wait_gather(b):
            pltpu.make_async_copy(
                y_hbm.at[sidx_v.at[b]], buf_v.at[b], gsems[b]).wait()

        def unpack_rows(b):
            @plsc.parallel_loop(0, CHUNK, 1, unroll=8)
            def row_body(r):
                for t in range(PKD // 16):
                    w = buf_v[b, r, pl.ds(t * 16, 16)]
                    sbuf_v[r, pl.ds(t * 16, 16)] = lax.bitcast_convert_type(
                        lax.shift_left(w, 16), jnp.float32)
                    sbuf_v[r, pl.ds(PKD + t * 16, 16)] = (
                        lax.bitcast_convert_type(
                            w & jnp.int32(-65536), jnp.float32))

        for b in range(NBUF):
            start_gather(b, b)

        pltpu.sync_copy(zeros_hbm, acc_sh.at[pl.ds(zrow, ROWS_PER_TILE)])
        plsc.subcore_barrier()

        def outer(t, carry):
            for b in range(NBUF):
                j = t * NBUF + b
                wait_gather(b)
                unpack_rows(b)
                pltpu.sync_copy(sbuf_v, acc_sh.at[didx_v.at[b]], add=True)

                @pl.when(j + NBUF < S_PER_W)
                def _():
                    start_gather(j + NBUF, b)
            return carry

        lax.fori_loop(0, S_PER_W // NBUF, outer, 0)
        plsc.subcore_barrier()

        pltpu.sync_copy(
            acc_sh.at[pl.ds(zrow, ROWS_PER_TILE)],
            out_hbm.at[c, pl.ds(zrow, ROWS_PER_TILE)],
        )

    return k(y_packed, packed_idx, zblk)


def _tc_finish_body(agg_ref, batch_ref, out_ref):
    agg = agg_ref[0] + agg_ref[1]
    h = jnp.maximum(agg[:N_NODES], 0.0)
    gids = lax.broadcasted_iota(jnp.int32, (N_NODES, NUM_GRAPHS), 1)
    onehot = (batch_ref[...] == gids).astype(jnp.float32)
    sums = lax.dot_general(
        onehot, h,
        dimension_numbers=(((0,), (0,)), ((), ())),
        preferred_element_type=jnp.float32,
    )
    counts = lax.dot_general(
        onehot, jnp.ones((N_NODES, 1), jnp.float32),
        dimension_numbers=(((0,), (0,)), ((), ())),
        preferred_element_type=jnp.float32,
    )
    out_ref[...] = sums / jnp.maximum(counts, 1.0)


def _tc_finish(agg2, batch2d):
    return pl.pallas_call(
        _tc_finish_body,
        out_shape=jax.ShapeDtypeStruct((NUM_GRAPHS, EMBED), jnp.float32),
    )(agg2, batch2d)


@jax.jit
def kernel(x, edge_index, batch, W, b):
    x_pad = jnp.zeros((N_PAD, D_FEAT), jnp.float32).at[:N_NODES].set(x)

    src = edge_index[0].astype(jnp.int32)
    dst = edge_index[1].astype(jnp.int32)
    pad = E_PAD - N_EDGES
    packed = jnp.bitwise_or(src, jnp.left_shift(dst, 16))
    packed2d = jnp.concatenate(
        [packed, jnp.full((pad,), N_NODES << 16, jnp.int32)]).reshape(
        N_STREAMS_PAD, CHUNK)

    y_packed = _tc_linear_packed(x_pad, W, b)
    agg2 = _sc_aggregate(y_packed, packed2d,
                         jnp.zeros((ROWS_PER_TILE, EMBED), jnp.float32))
    return _tc_finish(agg2, batch.astype(jnp.int32).reshape(N_NODES, 1))

# --- scband reference (transcript-rebuilt; emitter-appended) ---
"""Pipeline reference for scband-ggnn-71124658422328 (READ-ONLY COPY).

The authoritative reference and input builder live on the scoring server;
editing this copy changes nothing except your own understanding.
"""

import jax, jax.numpy as jnp
import numpy as np

N_NODES = 10000
N_EDGES = 320000
D_FEAT = 128
EMBED = 128
NUM_GRAPHS = 64


def setup_inputs(seed: int = 0) -> dict:
    key = jax.random.key(seed)
    k_x, k_ei, k_b, k_w, k_bias = jax.random.split(key, 5)
    x = jax.random.normal(k_x, (N_NODES, D_FEAT), dtype=jnp.float32)
    edge_index = jax.random.randint(k_ei, (2, N_EDGES), 0, N_NODES, dtype=jnp.int64)
    batch = jnp.sort(jax.random.randint(k_b, (N_NODES,), 0, NUM_GRAPHS, dtype=jnp.int64))
    # nn.Linear(in_channels=128, out_channels=128): weight [out, in], bias [out]
    bound = 1.0 / np.sqrt(D_FEAT)
    W = jax.random.uniform(k_w, (EMBED, D_FEAT), minval=-bound, maxval=bound, dtype=jnp.float32)
    b = jax.random.uniform(k_bias, (EMBED,), minval=-bound, maxval=bound, dtype=jnp.float32)
    return {"x": x, "edge_index": edge_index, "batch": batch, "W": W, "b": b}


def reference(x, edge_index, batch, W, b):
    # GraphConvolution (MessagePassing, aggr='add'):
    #   message: lin(x_j) where x_j = x[src]
    #   aggregate: scatter-add into dst nodes
    src = edge_index[0]
    dst = edge_index[1]
    x_j = jnp.take(x, src, axis=0)                      # gather  [E, d_in]
    msg = x_j @ W.T + b                                  # per-edge linear [E, d_out]
    agg = jax.ops.segment_sum(msg, dst, num_segments=N_NODES)  # scatter-add [N, d_out]
    h = jax.nn.relu(agg)
    # global_mean_pool over batch assignment
    sums = jax.ops.segment_sum(h, batch, num_segments=NUM_GRAPHS)
    counts = jax.ops.segment_sum(jnp.ones((h.shape[0],), dtype=h.dtype), batch, num_segments=NUM_GRAPHS)
    out = sums / jnp.clip(counts, 1.0)[:, None]
    return out

if __name__ == "__main__":
    import jax
    _d = setup_inputs()
    print(jax.jit(kernel)(*tuple(_d.values())))

</pallas_src>

<mosaic_0001>
#map = affine_map<(d0, d1) -> (0, 0)>
#map1 = affine_map<(d0, d1) -> (0, 0, 0)>
module attributes {stable_mosaic.version = 14 : i64} {
  func.func @k(%arg0: i32, %arg1: i32, %arg2: memref<10112x64xi32, #tpu.memory_space<hbm>>, %arg3: memref<2560x128xi32, #tpu.memory_space<hbm>>, %arg4: memref<632x128xf32, #tpu.memory_space<hbm>>, %arg5: memref<2x10112x128xf32, #tpu.memory_space<hbm>>, %arg6: memref<80x128xi32, #tpu.memory_space<vmem>>, %arg7: memref<2x128xi32, #tpu.memory_space<vmem>>, %arg8: memref<2x128xi32, #tpu.memory_space<vmem>>, %arg9: memref<2x128x64xi32, #tpu.memory_space<vmem>>, %arg10: memref<128x128xf32, #tpu.memory_space<vmem>>, %arg11: memref<10112x128xf32, #tpu.memory_space<vmem_shared>>, %arg12: memref<!tpu.dma_semaphore, #tpu.memory_space<semaphore_mem>>, %arg13: memref<!tpu.dma_semaphore, #tpu.memory_space<semaphore_mem>>) attributes {dimension_semantics = [#tpu.dimension_semantics<core_parallel>, #tpu.dimension_semantics<subcore_parallel>], iteration_bounds = array<i64: 2, 16>, scalar_prefetch = 0 : i64, scratch_operands = 8 : i64, tpu.core_type = #tpu.core_type<sc_vector_subcore>, window_params = [{transform_indices = #map}, {transform_indices = #map}, {transform_indices = #map}, {transform_indices = #map1}]} {
    %mul3A = arith.constant 2 : i32
    %mul3A_0 = arith.muli %arg1, %mul3A : i32
    %add3A = arith.addi %mul3A_0, %arg0 : i32
    %mul3A_1 = arith.constant 632 : i32
    %mul3A_2 = arith.muli %arg1, %mul3A_1 : i32
    %mul3A_3 = arith.constant 80 : i32
    %mul3A_4 = arith.muli %add3A, %mul3A_3 : i32
    "tpu.region"() ({
      %run_scoped3A = tpu.sem_alloc : memref<!tpu.dma_semaphore, #tpu.memory_space<semaphore_mem>>
      %dma_start3A_398 = arith.constant 0 : i32
      %dma_start3A_399 = tpu.memref_slice %arg3[%mul3A_4, %dma_start3A_398] : memref<2560x128xi32, #tpu.memory_space<hbm>> -> memref<80x128xi32, #tpu.memory_space<hbm>>
      %dma_start3A_400 = arith.constant 0 : i32
      %dma_start3A_401 = tpu.memref_slice %arg3[%mul3A_4, %dma_start3A_400] : memref<2560x128xi32, #tpu.memory_space<hbm>> -> memref<80x128xi32, #tpu.memory_space<hbm>>
      tpu.enqueue_dma source(%dma_start3A_401 : memref<80x128xi32, #tpu.memory_space<hbm>>) target(%arg6 : memref<80x128xi32, #tpu.memory_space<vmem>>) target_semaphore(%run_scoped3A : memref<!tpu.dma_semaphore, #tpu.memory_space<semaphore_mem>>)
      %dma_wait3A = arith.constant 0 : i32
      %dma_wait3A_402 = tpu.memref_slice %arg3[%mul3A_4, %dma_wait3A] : memref<2560x128xi32, #tpu.memory_space<hbm>> -> memref<80x128xi32, #tpu.memory_space<hbm>>
      %dma_wait3A_403 = arith.constant 0 : i32
      %dma_wait3A_404 = tpu.memref_slice %arg3[%mul3A_4, %dma_wait3A_403] : memref<2560x128xi32, #tpu.memory_space<hbm>> -> memref<80x128xi32, #tpu.memory_space<hbm>>
      tpu.wait_dma2 semaphore(%run_scoped3A : memref<!tpu.dma_semaphore, #tpu.memory_space<semaphore_mem>>) src(%dma_wait3A_404 : memref<80x128xi32, #tpu.memory_space<hbm>>) dst(%arg6 : memref<80x128xi32, #tpu.memory_space<vmem>>)
      tpu.yield
    }) : () -> ()
    %get3A = arith.constant 0 : i32
    %get3A_5 = arith.index_cast %get3A : i32 to index
    %get3A_6 = arith.constant 0 : index
    %get3A_7 = tpu.vector_load %arg6[%get3A_5, %get3A_6] {strides = array<i32>} : memref<80x128xi32, #tpu.memory_space<vmem>>, vector<1x16xi32>,
    %get3A_8 = vector.shape_cast %get3A_7 : vector<1x16xi32> to vector<16xi32>
    %and3A = arith.constant 65535 : i32
    %and3A_9 = vector.broadcast %and3A : i32 to vector<16xi32>
    %and3A_10 = arith.andi %get3A_8, %and3A_9 : vector<16xi32>
    %swap3A = arith.constant 0 : i32
    %swap3A_11 = arith.index_cast %swap3A : i32 to index
    %swap3A_12 = arith.constant 0 : index
    %swap3A_13 = tpu.vector_load %arg7[%swap3A_11, %swap3A_12] {strides = array<i32>} : memref<2x128xi32, #tpu.memory_space<vmem>>, vector<1x16xi32>,
    %swap3A_14 = vector.shape_cast %swap3A_13 : vector<1x16xi32> to vector<16xi32>
    %swap3A_15 = vector.shape_cast %and3A_10 : vector<16xi32> to vector<1x16xi32>
    tpu.vector_store %arg7[%swap3A_11, %swap3A_12], %swap3A_15 {strides = array<i32>} : memref<2x128xi32, #tpu.memory_space<vmem>>, vector<1x16xi32>,
    %shift_right_logical3A = arith.constant 16 : i32
    %shift_right_logical3A_16 = vector.broadcast %shift_right_logical3A : i32 to vector<16xi32>
    %shift_right_logical3A_17 = arith.shrui %get3A_8, %shift_right_logical3A_16 : vector<16xi32>
    %swap3A_18 = arith.constant 0 : i32
    %swap3A_19 = arith.index_cast %swap3A_18 : i32 to index
    %swap3A_20 = arith.constant 0 : index
    %swap3A_21 = tpu.vector_load %arg8[%swap3A_19, %swap3A_20] {strides = array<i32>} : memref<2x128xi32, #tpu.memory_space<vmem>>, vector<1x16xi32>,
    %swap3A_22 = vector.shape_cast %swap3A_21 : vector<1x16xi32> to vector<16xi32>
    %swap3A_23 = vector.shape_cast %shift_right_logical3A_17 : vector<16xi32> to vector<1x16xi32>
    tpu.vector_store %arg8[%swap3A_19, %swap3A_20], %swap3A_23 {strides = array<i32>} : memref<2x128xi32, #tpu.memory_space<vmem>>, vector<1x16xi32>,
    %get3A_24 = arith.constant 0 : i32
    %get3A_25 = arith.index_cast %get3A_24 : i32 to index
    %get3A_26 = arith.constant 16 : index
    %get3A_27 = tpu.vector_load %arg6[%get3A_25, %get3A_26] {strides = array<i32>} : memref<80x128xi32, #tpu.memory_space<vmem>>, vector<1x16xi32>,
    %get3A_28 = vector.shape_cast %get3A_27 : vector<1x16xi32> to vector<16xi32>
    %and3A_29 = arith.constant 65535 : i32
    %and3A_30 = vector.broadcast %and3A_29 : i32 to vector<16xi32>
    %and3A_31 = arith.andi %get3A_28, %and3A_30 : vector<16xi32>
    %swap3A_32 = arith.constant 0 : i32
    %swap3A_33 = arith.index_cast %swap3A_32 : i32 to index
    %swap3A_34 = arith.constant 16 : index
    %swap3A_35 = tpu.vector_load %arg7[%swap3A_33, %swap3A_34] {strides = array<i32>} : memref<2x128xi32, #tpu.memory_space<vmem>>, vector<1x16xi32>,
    %swap3A_36 = vector.shape_cast %swap3A_35 : vector<1x16xi32> to vector<16xi32>
    %swap3A_37 = vector.shape_cast %and3A_31 : vector<16xi32> to vector<1x16xi32>
    tpu.vector_store %arg7[%swap3A_33, %swap3A_34], %swap3A_37 {strides = array<i32>} : memref<2x128xi32, #tpu.memory_space<vmem>>, vector<1x16xi32>,
    %shift_right_logical3A_38 = arith.constant 16 : i32
    %shift_right_logical3A_39 = vector.broadcast %shift_right_logical3A_38 : i32 to vector<16xi32>
    %shift_right_logical3A_40 = arith.shrui %get3A_28, %shift_right_logical3A_39 : vector<16xi32>
    %swap3A_41 = arith.constant 0 : i32
    %swap3A_42 = arith.index_cast %swap3A_41 : i32 to index
    %swap3A_43 = arith.constant 16 : index
    %swap3A_44 = tpu.vector_load %arg8[%swap3A_42, %swap3A_43] {strides = array<i32>} : memref<2x128xi32, #tpu.memory_space<vmem>>, vector<1x16xi32>,
    %swap3A_45 = vector.shape_cast %swap3A_44 : vector<1x16xi32> to vector<16xi32>
    %swap3A_46 = vector.shape_cast %shift_right_logical3A_40 : vector<16xi32> to vector<1x16xi32>
    tpu.vector_store %arg8[%swap3A_42, %swap3A_43], %swap3A_46 {strides = array<i32>} : memref<2x128xi32, #tpu.memory_space<vmem>>, vector<1x16xi32>,
    %get3A_47 = arith.constant 0 : i32
    %get3A_48 = arith.index_cast %get3A_47 : i32 to index
    %get3A_49 = arith.constant 32 : index
    %get3A_50 = tpu.vector_load %arg6[%get3A_48, %get3A_49] {strides = array<i32>} : memref<80x128xi32, #tpu.memory_space<vmem>>, vector<1x16xi32>,
    %get3A_51 = vector.shape_cast %get3A_50 : vector<1x16xi32> to vector<16xi32>
    %and3A_52 = arith.constant 65535 : i32
    %and3A_53 = vector.broadcast %and3A_52 : i32 to vector<16xi32>
    %and3A_54 = arith.andi %get3A_51, %and3A_53 : vector<16xi32>
    %swap3A_55 = arith.constant 0 : i32
    %swap3A_56 = arith.index_cast %swap3A_55 : i32 to index
    %swap3A_57 = arith.constant 32 : index
    %swap3A_58 = tpu.vector_load %arg7[%swap3A_56, %swap3A_57] {strides = array<i32>} : memref<2x128xi32, #tpu.memory_space<vmem>>, vector<1x16xi32>,
    %swap3A_59 = vector.shape_cast %swap3A_58 : vector<1x16xi32> to vector<16xi32>
    %swap3A_60 = vector.shape_cast %and3A_54 : vector<16xi32> to vector<1x16xi32>
    tpu.vector_store %arg7[%swap3A_56, %swap3A_57], %swap3A_60 {strides = array<i32>} : memref<2x128xi32, #tpu.memory_space<vmem>>, vector<1x16xi32>,
    %shift_right_logical3A_61 = arith.constant 16 : i32
    %shift_right_logical3A_62 = vector.broadcast %shift_right_logical3A_61 : i32 to vector<16xi32>
    %shift_right_logical3A_63 = arith.shrui %get3A_51, %shift_right_logical3A_62 : vector<16xi32>
    %swap3A_64 = arith.constant 0 : i32
    %swap3A_65 = arith.index_cast %swap3A_64 : i32 to index
    %swap3A_66 = arith.constant 32 : index
    %swap3A_67 = tpu.vector_load %arg8[%swap3A_65, %swap3A_66] {strides = array<i32>} : memref<2x128xi32, #tpu.memory_space<vmem>>, vector<1x16xi32>,
    %swap3A_68 = vector.shape_cast %swap3A_67 : vector<1x16xi32> to vector<16xi32>
    %swap3A_69 = vector.shape_cast %shift_right_logical3A_63 : vector<16xi32> to vector<1x16xi32>
    tpu.vector_store %arg8[%swap3A_65, %swap3A_66], %swap3A_69 {strides = array<i32>} : memref<2x128xi32, #tpu.memory_space<vmem>>, vector<1x16xi32>,
    %get3A_70 = arith.constant 0 : i32
    %get3A_71 = arith.index_cast %get3A_70 : i32 to index
    %get3A_72 = arith.constant 48 : index
    %get3A_73 = tpu.vector_load %arg6[%get3A_71, %get3A_72] {strides = array<i32>} : memref<80x128xi32, #tpu.memory_space<vmem>>, vector<1x16xi32>,
    %get3A_74 = vector.shape_cast %get3A_73 : vector<1x16xi32> to vector<16xi32>
    %and3A_75 = arith.constant 65535 : i32
    %and3A_76 = vector.broadcast %and3A_75 : i32 to vector<16xi32>
    %and3A_77 = arith.andi %get3A_74, %and3A_76 : vector<16xi32>
    %swap3A_78 = arith.constant 0 : i32
    %swap3A_79 = arith.index_cast %swap3A_78 : i32 to index
    %swap3A_80 = arith.constant 48 : index
    %swap3A_81 = tpu.vector_load %arg7[%swap3A_79, %swap3A_80] {strides = array<i32>} : memref<2x128xi32, #tpu.memory_space<vmem>>, vector<1x16xi32>,
    %swap3A_82 = vector.shape_cast %swap3A_81 : vector<1x16xi32> to vector<16xi32>
    %swap3A_83 = vector.shape_cast %and3A_77 : vector<16xi32> to vector<1x16xi32>
    tpu.vector_store %arg7[%swap3A_79, %swap3A_80], %swap3A_83 {strides = array<i32>} : memref<2x128xi32, #tpu.memory_space<vmem>>, vector<1x16xi32>,
    %shift_right_logical3A_84 = arith.constant 16 : i32
    %shift_right_logical3A_85 = vector.broadcast %shift_right_logical3A_84 : i32 to vector<16xi32>
    %shift_right_logical3A_86 = arith.shrui %get3A_74, %shift_right_logical3A_85 : vector<16xi32>
    %swap3A_87 = arith.constant 0 : i32
    %swap3A_88 = arith.index_cast %swap3A_87 : i32 to index
    %swap3A_89 = arith.constant 48 : index
    %swap3A_90 = tpu.vector_load %arg8[%swap3A_88, %swap3A_89] {strides = array<i32>} : memref<2x128xi32, #tpu.memory_space<vmem>>, vector<1x16xi32>,
    %swap3A_91 = vector.shape_cast %swap3A_90 : vector<1x16xi32> to vector<16xi32>
    %swap3A_92 = vector.shape_cast %shift_right_logical3A_86 : vector<16xi32> to vector<1x16xi32>
    tpu.vector_store %arg8[%swap3A_88, %swap3A_89], %swap3A_92 {strides = array<i32>} : memref<2x128xi32, #tpu.memory_space<vmem>>, vector<1x16xi32>,
    %get3A_93 = arith.constant 0 : i32
    %get3A_94 = arith.index_cast %get3A_93 : i32 to index
    %get3A_95 = arith.constant 64 : index
    %get3A_96 = tpu.vector_load %arg6[%get3A_94, %get3A_95] {strides = array<i32>} : memref<80x128xi32, #tpu.memory_space<vmem>>, vector<1x16xi32>,
    %get3A_97 = vector.shape_cast %get3A_96 : vector<1x16xi32> to vector<16xi32>
    %and3A_98 = arith.constant 65535 : i32
    %and3A_99 = vector.broadcast %and3A_98 : i32 to vector<16xi32>
    %and3A_100 = arith.andi %get3A_97, %and3A_99 : vector<16xi32>
    %swap3A_101 = arith.constant 0 : i32
    %swap3A_102 = arith.index_cast %swap3A_101 : i32 to index
    %swap3A_103 = arith.constant 64 : index
    %swap3A_104 = tpu.vector_load %arg7[%swap3A_102, %swap3A_103] {strides = array<i32>} : memref<2x128xi32, #tpu.memory_space<vmem>>, vector<1x16xi32>,
    %swap3A_105 = vector.shape_cast %swap3A_104 : vector<1x16xi32> to vector<16xi32>
    %swap3A_106 = vector.shape_cast %and3A_100 : vector<16xi32> to vector<1x16xi32>
    tpu.vector_store %arg7[%swap3A_102, %swap3A_103], %swap3A_106 {strides = array<i32>} : memref<2x128xi32, #tpu.memory_space<vmem>>, vector<1x16xi32>,
    %shift_right_logical3A_107 = arith.constant 16 : i32
    %shift_right_logical3A_108 = vector.broadcast %shift_right_logical3A_107 : i32 to vector<16xi32>
    %shift_right_logical3A_109 = arith.shrui %get3A_97, %shift_right_logical3A_108 : vector<16xi32>
    %swap3A_110 = arith.constant 0 : i32
    %swap3A_111 = arith.index_cast %swap3A_110 : i32 to index
    %swap3A_112 = arith.constant 64 : index
    %swap3A_113 = tpu.vector_load %arg8[%swap3A_111, %swap3A_112] {strides = array<i32>} : memref<2x128xi32, #tpu.memory_space<vmem>>, vector<1x16xi32>,
    %swap3A_114 = vector.shape_cast %swap3A_113 : vector<1x16xi32> to vector<16xi32>
    %swap3A_115 = vector.shape_cast %shift_right_logical3A_109 : vector<16xi32> to vector<1x16xi32>
    tpu.vector_store %arg8[%swap3A_111, %swap3A_112], %swap3A_115 {strides = array<i32>} : memref<2x128xi32, #tpu.memory_space<vmem>>, vector<1x16xi32>,
    %get3A_116 = arith.constant 0 : i32
    %get3A_117 = arith.index_cast %get3A_116 : i32 to index
    %get3A_118 = arith.constant 80 : index
    %get3A_119 = tpu.vector_load %arg6[%get3A_117, %get3A_118] {strides = array<i32>} : memref<80x128xi32, #tpu.memory_space<vmem>>, vector<1x16xi32>,
    %get3A_120 = vector.shape_cast %get3A_119 : vector<1x16xi32> to vector<16xi32>
    %and3A_121 = arith.constant 65535 : i32
    %and3A_122 = vector.broadcast %and3A_121 : i32 to vector<16xi32>
    %and3A_123 = arith.andi %get3A_120, %and3A_122 : vector<16xi32>
    %swap3A_124 = arith.constant 0 : i32
    %swap3A_125 = arith.index_cast %swap3A_124 : i32 to index
    %swap3A_126 = arith.constant 80 : index
    %swap3A_127 = tpu.vector_load %arg7[%swap3A_125, %swap3A_126] {strides = array<i32>} : memref<2x128xi32, #tpu.memory_space<vmem>>, vector<1x16xi32>,
    %swap3A_128 = vector.shape_cast %swap3A_127 : vector<1x16xi32> to vector<16xi32>
    %swap3A_129 = vector.shape_cast %and3A_123 : vector<16xi32> to vector<1x16xi32>
    tpu.vector_store %arg7[%swap3A_125, %swap3A_126], %swap3A_129 {strides = array<i32>} : memref<2x128xi32, #tpu.memory_space<vmem>>, vector<1x16xi32>,
    %shift_right_logical3A_130 = arith.constant 16 : i32
    %shift_right_logical3A_131 = vector.broadcast %shift_right_logical3A_130 : i32 to vector<16xi32>
    %shift_right_logical3A_132 = arith.shrui %get3A_120, %shift_right_logical3A_131 : vector<16xi32>
    %swap3A_133 = arith.constant 0 : i32
    %swap3A_134 = arith.index_cast %swap3A_133 : i32 to index
    %swap3A_135 = arith.constant 80 : index
    %swap3A_136 = tpu.vector_load %arg8[%swap3A_134, %swap3A_135] {strides = array<i32>} : memref<2x128xi32, #tpu.memory_space<vmem>>, vector<1x16xi32>,
    %swap3A_137 = vector.shape_cast %swap3A_136 : vector<1x16xi32> to vector<16xi32>
    %swap3A_138 = vector.shape_cast %shift_right_logical3A_132 : vector<16xi32> to vector<1x16xi32>
    tpu.vector_store %arg8[%swap3A_134, %swap3A_135], %swap3A_138 {strides = array<i32>} : memref<2x128xi32, #tpu.memory_space<vmem>>, vector<1x16xi32>,
    %get3A_139 = arith.constant 0 : i32
    %get3A_140 = arith.index_cast %get3A_139 : i32 to index
    %get3A_141 = arith.constant 96 : index
    %get3A_142 = tpu.vector_load %arg6[%get3A_140, %get3A_141] {strides = array<i32>} : memref<80x128xi32, #tpu.memory_space<vmem>>, vector<1x16xi32>,
    %get3A_143 = vector.shape_cast %get3A_142 : vector<1x16xi32> to vector<16xi32>
    %and3A_144 = arith.constant 65535 : i32
    %and3A_145 = vector.broadcast %and3A_144 : i32 to vector<16xi32>
    %and3A_146 = arith.andi %get3A_143, %and3A_145 : vector<16xi32>
    %swap3A_147 = arith.constant 0 : i32
    %swap3A_148 = arith.index_cast %swap3A_147 : i32 to index
    %swap3A_149 = arith.constant 96 : index
    %swap3A_150 = tpu.vector_load %arg7[%swap3A_148, %swap3A_149] {strides = array<i32>} : memref<2x128xi32, #tpu.memory_space<vmem>>, vector<1x16xi32>,
    %swap3A_151 = vector.shape_cast %swap3A_150 : vector<1x16xi32> to vector<16xi32>
    %swap3A_152 = vector.shape_cast %and3A_146 : vector<16xi32> to vector<1x16xi32>
    tpu.vector_store %arg7[%swap3A_148, %swap3A_149], %swap3A_152 {strides = array<i32>} : memref<2x128xi32, #tpu.memory_space<vmem>>, vector<1x16xi32>,
    %shift_right_logical3A_153 = arith.constant 16 : i32
    %shift_right_logical3A_154 = vector.broadcast %shift_right_logical3A_153 : i32 to vector<16xi32>
    %shift_right_logical3A_155 = arith.shrui %get3A_143, %shift_right_logical3A_154 : vector<16xi32>
    %swap3A_156 = arith.constant 0 : i32
    %swap3A_157 = arith.index_cast %swap3A_156 : i32 to index
    %swap3A_158 = arith.constant 96 : index
    %swap3A_159 = tpu.vector_load %arg8[%swap3A_157, %swap3A_158] {strides = array<i32>} : memref<2x128xi32, #tpu.memory_space<vmem>>, vector<1x16xi32>,
    %swap3A_160 = vector.shape_cast %swap3A_159 : vector<1x16xi32> to vector<16xi32>
    %swap3A_161 = vector.shape_cast %shift_right_logical3A_155 : vector<16xi32> to vector<1x16xi32>
    tpu.vector_store %arg8[%swap3A_157, %swap3A_158], %swap3A_161 {strides = array<i32>} : memref<2x128xi32, #tpu.memory_space<vmem>>, vector<1x16xi32>,
    %get3A_162 = arith.constant 0 : i32
    %get3A_163 = arith.index_cast %get3A_162 : i32 to index
    %get3A_164 = arith.constant 112 : index
    %get3A_165 = tpu.vector_load %arg6[%get3A_163, %get3A_164] {strides = array<i32>} : memref<80x128xi32, #tpu.memory_space<vmem>>, vector<1x16xi32>,
    %get3A_166 = vector.shape_cast %get3A_165 : vector<1x16xi32> to vector<16xi32>
    %and3A_167 = arith.constant 65535 : i32
    %and3A_168 = vector.broadcast %and3A_167 : i32 to vector<16xi32>
    %and3A_169 = arith.andi %get3A_166, %and3A_168 : vector<16xi32>
    %swap3A_170 = arith.constant 0 : i32
    %swap3A_171 = arith.index_cast %swap3A_170 : i32 to index
    %swap3A_172 = arith.constant 112 : index
    %swap3A_173 = tpu.vector_load %arg7[%swap3A_171, %swap3A_172] {strides = array<i32>} : memref<2x128xi32, #tpu.memory_space<vmem>>, vector<1x16xi32>,
    %swap3A_174 = vector.shape_cast %swap3A_173 : vector<1x16xi32> to vector<16xi32>
    %swap3A_175 = vector.shape_cast %and3A_169 : vector<16xi32> to vector<1x16xi32>
    tpu.vector_store %arg7[%swap3A_171, %swap3A_172], %swap3A_175 {strides = array<i32>} : memref<2x128xi32, #tpu.memory_space<vmem>>, vector<1x16xi32>,
    %shift_right_logical3A_176 = arith.constant 16 : i32
    %shift_right_logical3A_177 = vector.broadcast %shift_right_logical3A_176 : i32 to vector<16xi32>
    %shift_right_logical3A_178 = arith.shrui %get3A_166, %shift_right_logical3A_177 : vector<16xi32>
    %swap3A_179 = arith.constant 0 : i32
    %swap3A_180 = arith.index_cast %swap3A_179 : i32 to index
    %swap3A_181 = arith.constant 112 : index
    %swap3A_182 = tpu.vector_load %arg8[%swap3A_180, %swap3A_181] {strides = array<i32>} : memref<2x128xi32, #tpu.memory_space<vmem>>, vector<1x16xi32>,
    %swap3A_183 = vector.shape_cast %swap3A_182 : vector<1x16xi32> to vector<16xi32>
    %swap3A_184 = vector.shape_cast %shift_right_logical3A_178 : vector<16xi32> to vector<1x16xi32>
    tpu.vector_store %arg8[%swap3A_180, %swap3A_181], %swap3A_184 {strides = array<i32>} : memref<2x128xi32, #tpu.memory_space<vmem>>, vector<1x16xi32>,
    %dma_start3A = arith.constant 0 : i32
    %dma_start3A_185 = arith.constant 0 : i32
    %dma_start3A_186 = arith.constant 0 : i32
    %dma_start3A_187 = arith.constant 0 : i32
    %dma_start3A_188 = tpu.memref_slice %arg9[%dma_start3A_185, %dma_start3A_186, %dma_start3A_187] : memref<2x128x64xi32, #tpu.memory_space<vmem>> -> memref<1x128x64xi32, #tpu.memory_space<vmem>>
    %dma_start3A_189 = tpu.memref_squeeze %dma_start3A_188 : memref<1x128x64xi32, #tpu.memory_space<vmem>> -> memref<128x64xi32, #tpu.memory_space<vmem>>
    %dma_start3A_190 = arith.constant 0 : i32
    %dma_start3A_191 = tpu.memref_slice %arg7[%dma_start3A, %dma_start3A_190] : memref<2x128xi32, #tpu.memory_space<vmem>> -> memref<1x128xi32, #tpu.memory_space<vmem>>
    %dma_start3A_192 = tpu.memref_squeeze %dma_start3A_191 : memref<1x128xi32, #tpu.memory_space<vmem>> -> memref<128xi32, #tpu.memory_space<vmem>>
    %dma_start3A_193 = arith.constant 0 : i32
    %dma_start3A_194 = arith.constant 0 : i32
    %dma_start3A_195 = tpu.memref_slice %arg2[%dma_start3A_193, %dma_start3A_194] : memref<10112x64xi32, #tpu.memory_space<hbm>> -> memref<10112x64xi32, #tpu.memory_space<hbm>>
    tpu.enqueue_indirect_dma source(%dma_start3A_195 : memref<10112x64xi32, #tpu.memory_space<hbm>>) target(%dma_start3A_189 : memref<128x64xi32, #tpu.memory_space<vmem>>) offsets(%dma_start3A_192 : memref<128xi32, #tpu.memory_space<vmem>>) semaphore(%arg12 : memref<!tpu.dma_semaphore, #tpu.memory_space<semaphore_mem>>)
    %get3A_196 = arith.constant 1 : i32
    %get3A_197 = arith.index_cast %get3A_196 : i32 to index
    %get3A_198 = arith.constant 0 : index
    %get3A_199 = tpu.vector_load %arg6[%get3A_197, %get3A_198] {strides = array<i32>} : memref<80x128xi32, #tpu.memory_space<vmem>>, vector<1x16xi32>,
    %get3A_200 = vector.shape_cast %get3A_199 : vector<1x16xi32> to vector<16xi32>
    %and3A_201 = arith.constant 65535 : i32
    %and3A_202 = vector.broadcast %and3A_201 : i32 to vector<16xi32>
    %and3A_203 = arith.andi %get3A_200, %and3A_202 : vector<16xi32>
    %swap3A_204 = arith.constant 1 : i32
    %swap3A_205 = arith.index_cast %swap3A_204 : i32 to index
    %swap3A_206 = arith.constant 0 : index
    %swap3A_207 = tpu.vector_load %arg7[%swap3A_205, %swap3A_206] {strides = array<i32>} : memref<2x128xi32, #tpu.memory_space<vmem>>, vector<1x16xi32>,
    %swap3A_208 = vector.shape_cast %swap3A_207 : vector<1x16xi32> to vector<16xi32>
    %swap3A_209 = vector.shape_cast %and3A_203 : vector<16xi32> to vector<1x16xi32>
    tpu.vector_store %arg7[%swap3A_205, %swap3A_206], %swap3A_209 {strides = array<i32>} : memref<2x128xi32, #tpu.memory_space<vmem>>, vector<1x16xi32>,
    %shift_right_logical3A_210 = arith.constant 16 : i32
    %shift_right_logical3A_211 = vector.broadcast %shift_right_logical3A_210 : i32 to vector<16xi32>
    %shift_right_logical3A_212 = arith.shrui %get3A_200, %shift_right_logical3A_211 : vector<16xi32>
    %swap3A_213 = arith.constant 1 : i32
    %swap3A_214 = arith.index_cast %swap3A_213 : i32 to index
    %swap3A_215 = arith.constant 0 : index
    %swap3A_216 = tpu.vector_load %arg8[%swap3A_214, %swap3A_215] {strides = array<i32>} : memref<2x128xi32, #tpu.memory_space<vmem>>, vector<1x16xi32>,
    %swap3A_217 = vector.shape_cast %swap3A_216 : vector<1x16xi32> to vector<16xi32>
    %swap3A_218 = vector.shape_cast %shift_right_logical3A_212 : vector<16xi32> to vector<1x16xi32>
    tpu.vector_store %arg8[%swap3A_214, %swap3A_215], %swap3A_218 {strides = array<i32>} : memref<2x128xi32, #tpu.memory_space<vmem>>, vector<1x16xi32>,
    %get3A_219 = arith.constant 1 : i32
    %get3A_220 = arith.index_cast %get3A_219 : i32 to index
    %get3A_221 = arith.constant 16 : index
    %get3A_222 = tpu.vector_load %arg6[%get3A_220, %get3A_221] {strides = array<i32>} : memref<80x128xi32, #tpu.memory_space<vmem>>, vector<1x16xi32>,
    %get3A_223 = vector.shape_cast %get3A_222 : vector<1x16xi32> to vector<16xi32>
    %and3A_224 = arith.constant 65535 : i32
    %and3A_225 = vector.broadcast %and3A_224 : i32 to vector<16xi32>
    %and3A_226 = arith.andi %get3A_223, %and3A_225 : vector<16xi32>
    %swap3A_227 = arith.constant 1 : i32
    %swap3A_228 = arith.index_cast %swap3A_227 : i32 to index
    %swap3A_229 = arith.constant 16 : index
    %swap3A_230 = tpu.vector_load %arg7[%swap3A_228, %swap3A_229] {strides = array<i32>} : memref<2x128xi32, #tpu.memory_space<vmem>>, vector<1x16xi32>,
    %swap3A_231 = vector.shape_cast %swap3A_230 : vector<1x16xi32> to vector<16xi32>
    %swap3A_232 = vector.shape_cast %and3A_226 : vector<16xi32> to vector<1x16xi32>
    tpu.vector_store %arg7[%swap3A_228, %swap3A_229], %swap3A_232 {strides = array<i32>} : memref<2x128xi32, #tpu.memory_space<vmem>>, vector<1x16xi32>,
    %shift_right_logical3A_233 = arith.constant 16 : i32
    %shift_right_logical3A_234 = vector.broadcast %shift_right_logical3A_233 : i32 to vector<16xi32>
    %shift_right_logical3A_235 = arith.shrui %get3A_223, %shift_right_logical3A_234 : vector<16xi32>
    %swap3A_236 = arith.constant 1 : i32
    %swap3A_237 = arith.index_cast %swap3A_236 : i32 to index
    %swap3A_238 = arith.constant 16 : index
    %swap3A_239 = tpu.vector_load %arg8[%swap3A_237, %swap3A_238] {strides = array<i32>} : memref<2x128xi32, #tpu.memory_space<vmem>>, vector<1x16xi32>,
    %swap3A_240 = vector.shape_cast %swap3A_239 : vector<1x16xi32> to vector<16xi32>
    %swap3A_241 = vector.shape_cast %shift_right_logical3A_235 : vector<16xi32> to vector<1x16xi32>
    tpu.vector_store %arg8[%swap3A_237, %swap3A_238], %swap3A_241 {strides = array<i32>} : memref<2x128xi32, #tpu.memory_space<vmem>>, vector<1x16xi32>,
    %get3A_242 = arith.constant 1 : i32
    %get3A_243 = arith.index_cast %get3A_242 : i32 to index
    %get3A_244 = arith.constant 32 : index
    %get3A_245 = tpu.vector_load %arg6[%get3A_243, %get3A_244] {strides = array<i32>} : memref<80x128xi32, #tpu.memory_space<vmem>>, vector<1x16xi32>,
    %get3A_246 = vector.shape_cast %get3A_245 : vector<1x16xi32> to vector<16xi32>
    %and3A_247 = arith.constant 65535 : i32
    %and3A_248 = vector.broadcast %and3A_247 : i32 to vector<16xi32>
    %and3A_249 = arith.andi %get3A_246, %and3A_248 : vector<16xi32>
    %swap3A_250 = arith.constant 1 : i32
    %swap3A_251 = arith.index_cast %swap3A_250 : i32 to index
    %swap3A_252 = arith.constant 32 : index
    %swap3A_253 = tpu.vector_load %arg7[%swap3A_251, %swap3A_252] {strides = array<i32>} : memref<2x128xi32, #tpu.memory_space<vmem>>, vector<1x16xi32>,
    %swap3A_254 = vector.shape_cast %swap3A_253 : vector<1x16xi32> to vector<16xi32>
    %swap3A_255 = vector.shape_cast %and3A_249 : vector<16xi32> to vector<1x16xi32>
    tpu.vector_store %arg7[%swap3A_251, %swap3A_252], %swap3A_255 {strides = array<i32>} : memref<2x128xi32, #tpu.memory_space<vmem>>, vector<1x16xi32>,
    %shift_right_logical3A_256 = arith.constant 16 : i32
    %shift_right_logical3A_257 = vector.broadcast %shift_right_logical3A_256 : i32 to vector<16xi32>
    %shift_right_logical3A_258 = arith.shrui %get3A_246, %shift_right_logical3A_257 : vector<16xi32>
    %swap3A_259 = arith.constant 1 : i32
    %swap3A_260 = arith.index_cast %swap3A_259 : i32 to index
    %swap3A_261 = arith.constant 32 : index
    %swap3A_262 = tpu.vector_load %arg8[%swap3A_260, %swap3A_261] {strides = array<i32>} : memref<2x128xi32, #tpu.memory_space<vmem>>, vector<1x16xi32>,
    %swap3A_263 = vector.shape_cast %swap3A_262 : vector<1x16xi32> to vector<16xi32>
    %swap3A_264 = vector.shape_cast %shift_right_logical3A_258 : vector<16xi32> to vector<1x16xi32>
    tpu.vector_store %arg8[%swap3A_260, %swap3A_261], %swap3A_264 {strides = array<i32>} : memref<2x128xi32, #tpu.memory_space<vmem>>, vector<1x16xi32>,
    %get3A_265 = arith.constant 1 : i32
    %get3A_266 = arith.index_cast %get3A_265 : i32 to index
    %get3A_267 = arith.constant 48 : index
    %get3A_268 = tpu.vector_load %arg6[%get3A_266, %get3A_267] {strides = array<i32>} : memref<80x128xi32, #tpu.memory_space<vmem>>, vector<1x16xi32>,
    %get3A_269 = vector.shape_cast %get3A_268 : vector<1x16xi32> to vector<16xi32>
    %and3A_270 = arith.constant 65535 : i32
    %and3A_271 = vector.broadcast %and3A_270 : i32 to vector<16xi32>
    %and3A_272 = arith.andi %get3A_269, %and3A_271 : vector<16xi32>
    %swap3A_273 = arith.constant 1 : i32
    %swap3A_274 = arith.index_cast %swap3A_273 : i32 to index
    %swap3A_275 = arith.constant 48 : index
    %swap3A_276 = tpu.vector_load %arg7[%swap3A_274, %swap3A_275] {strides = array<i32>} : memref<2x128xi32, #tpu.memory_space<vmem>>, vector<1x16xi32>,
    %swap3A_277 = vector.shape_cast %swap3A_276 : vector<1x16xi32> to vector<16xi32>
    %swap3A_278 = vector.shape_cast %and3A_272 : vector<16xi32> to vector<1x16xi32>
    tpu.vector_store %arg7[%swap3A_274, %swap3A_275], %swap3A_278 {strides = array<i32>} : memref<2x128xi32, #tpu.memory_space<vmem>>, vector<1x16xi32>,
    %shift_right_logical3A_279 = arith.constant 16 : i32
    %shift_right_logical3A_280 = vector.broadcast %shift_right_logical3A_279 : i32 to vector<16xi32>
    %shift_right_logical3A_281 = arith.shrui %get3A_269, %shift_right_logical3A_280 : vector<16xi32>
    %swap3A_282 = arith.constant 1 : i32
    %swap3A_283 = arith.index_cast %swap3A_282 : i32 to index
    %swap3A_284 = arith.constant 48 : index
    %swap3A_285 = tpu.vector_load %arg8[%swap3A_283, %swap3A_284] {strides = array<i32>} : memref<2x128xi32, #tpu.memory_space<vmem>>, vector<1x16xi32>,
    %swap3A_286 = vector.shape_cast %swap3A_285 : vector<1x16xi32> to vector<16xi32>
    %swap3A_287 = vector.shape_cast %shift_right_logical3A_281 : vector<16xi32> to vector<1x16xi32>
    tpu.vector_store %arg8[%swap3A_283, %swap3A_284], %swap3A_287 {strides = array<i32>} : memref<2x128xi32, #tpu.memory_space<vmem>>, vector<1x16xi32>,
    %get3A_288 = arith.constant 1 : i32
    %get3A_289 = arith.index_cast %get3A_288 : i32 to index
    %get3A_290 = arith.constant 64 : index
    %get3A_291 = tpu.vector_load %arg6[%get3A_289, %get3A_290] {strides = array<i32>} : memref<80x128xi32, #tpu.memory_space<vmem>>, vector<1x16xi32>,
    %get3A_292 = vector.shape_cast %get3A_291 : vector<1x16xi32> to vector<16xi32>
    %and3A_293 = arith.constant 65535 : i32
    %and3A_294 = vector.broadcast %and3A_293 : i32 to vector<16xi32>
    %and3A_295 = arith.andi %get3A_292, %and3A_294 : vector<16xi32>
    %swap3A_296 = arith.constant 1 : i32
    %swap3A_297 = arith.index_cast %swap3A_296 : i32 to index
    %swap3A_298 = arith.constant 64 : index
    %swap3A_299 = tpu.vector_load %arg7[%swap3A_297, %swap3A_298] {strides = array<i32>} : memref<2x128xi32, #tpu.memory_space<vmem>>, vector<1x16xi32>,
    %swap3A_300 = vector.shape_cast %swap3A_299 : vector<1x16xi32> to vector<16xi32>
    %swap3A_301 = vector.shape_cast %and3A_295 : vector<16xi32> to vector<1x16xi32>
    tpu.vector_store %arg7[%swap3A_297, %swap3A_298], %swap3A_301 {strides = array<i32>} : memref<2x128xi32, #tpu.memory_space<vmem>>, vector<1x16xi32>,
    %shift_right_logical3A_302 = arith.constant 16 : i32
    %shift_right_logical3A_303 = vector.broadcast %shift_right_logical3A_302 : i32 to vector<16xi32>
    %shift_right_logical3A_304 = arith.shrui %get3A_292, %shift_right_logical3A_303 : vector<16xi32>
    %swap3A_305 = arith.constant 1 : i32
    %swap3A_306 = arith.index_cast %swap3A_305 : i32 to index
    %swap3A_307 = arith.constant 64 : index
    %swap3A_308 = tpu.vector_load %arg8[%swap3A_306, %swap3A_307] {strides = array<i32>} : memref<2x128xi32, #tpu.memory_space<vmem>>, vector<1x16xi32>,
    %swap3A_309 = vector.shape_cast %swap3A_308 : vector<1x16xi32> to vector<16xi32>
    %swap3A_310 = vector.shape_cast %shift_right_logical3A_304 : vector<16xi32> to vector<1x16xi32>
    tpu.vector_store %arg8[%swap3A_306, %swap3A_307], %swap3A_310 {strides = array<i32>} : memref<2x128xi32, #tpu.memory_space<vmem>>, vector<1x16xi32>,
    %get3A_311 = arith.constant 1 : i32
    %get3A_312 = arith.index_cast %get3A_311 : i32 to index
    %get3A_313 = arith.constant 80 : index
    %get3A_314 = tpu.vector_load %arg6[%get3A_312, %get3A_313] {strides = array<i32>} : memref<80x128xi32, #tpu.memory_space<vmem>>, vector<1x16xi32>,
    %get3A_315 = vector.shape_cast %get3A_314 : vector<1x16xi32> to vector<16xi32>
    %and3A_316 = arith.constant 65535 : i32
    %and3A_317 = vector.broadcast %and3A_316 : i32 to vector<16xi32>
    %and3A_318 = arith.andi %get3A_315, %and3A_317 : vector<16xi32>
    %swap3A_319 = arith.constant 1 : i32
    %swap3A_320 = arith.index_cast %swap3A_319 : i32 to index
    %swap3A_321 = arith.constant 80 : index
    %swap3A_322 = tpu.vector_load %arg7[%swap3A_320, %swap3A_321] {strides = array<i32>} : memref<2x128xi32, #tpu.memory_space<vmem>>, vector<1x16xi32>,
    %swap3A_323 = vector.shape_cast %swap3A_322 : vector<1x16xi32> to vector<16xi32>
    %swap3A_324 = vector.shape_cast %and3A_318 : vector<16xi32> to vector<1x16xi32>
    tpu.vector_store %arg7[%swap3A_320, %swap3A_321], %swap3A_324 {strides = array<i32>} : memref<2x128xi32, #tpu.memory_space<vmem>>, vector<1x16xi32>,
    %shift_right_logical3A_325 = arith.constant 16 : i32
    %shift_right_logical3A_326 = vector.broadcast %shift_right_logical3A_325 : i32 to vector<16xi32>
    %shift_right_logical3A_327 = arith.shrui %get3A_315, %shift_right_logical3A_326 : vector<16xi32>
    %swap3A_328 = arith.constant 1 : i32
    %swap3A_329 = arith.index_cast %swap3A_328 : i32 to index
    %swap3A_330 = arith.constant 80 : index
    %swap3A_331 = tpu.vector_load %arg8[%swap3A_329, %swap3A_330] {strides = array<i32>} : memref<2x128xi32, #tpu.memory_space<vmem>>, vector<1x16xi32>,
    %swap3A_332 = vector.shape_cast %swap3A_331 : vector<1x16xi32> to vector<16xi32>
    %swap3A_333 = vector.shape_cast %shift_right_logical3A_327 : vector<16xi32> to vector<1x16xi32>
    tpu.vector_store %arg8[%swap3A_329, %swap3A_330], %swap3A_333 {strides = array<i32>} : memref<2x128xi32, #tpu.memory_space<vmem>>, vector<1x16xi32>,
    %get3A_334 = arith.constant 1 : i32
    %get3A_335 = arith.index_cast %get3A_334 : i32 to index
    %get3A_336 = arith.constant 96 : index
    %get3A_337 = tpu.vector_load %arg6[%get3A_335, %get3A_336] {strides = array<i32>} : memref<80x128xi32, #tpu.memory_space<vmem>>, vector<1x16xi32>,
    %get3A_338 = vector.shape_cast %get3A_337 : vector<1x16xi32> to vector<16xi32>
    %and3A_339 = arith.constant 65535 : i32
    %and3A_340 = vector.broadcast %and3A_339 : i32 to vector<16xi32>
    %and3A_341 = arith.andi %get3A_338, %and3A_340 : vector<16xi32>
    %swap3A_342 = arith.constant 1 : i32
    %swap3A_343 = arith.index_cast %swap3A_342 : i32 to index
    %swap3A_344 = arith.constant 96 : index
    %swap3A_345 = tpu.vector_load %arg7[%swap3A_343, %swap3A_344] {strides = array<i32>} : memref<2x128xi32, #tpu.memory_space<vmem>>, vector<1x16xi32>,
    %swap3A_346 = vector.shape_cast %swap3A_345 : vector<1x16xi32> to vector<16xi32>
    %swap3A_347 = vector.shape_cast %and3A_341 : vector<16xi32> to vector<1x16xi32>
    tpu.vector_store %arg7[%swap3A_343, %swap3A_344], %swap3A_347 {strides = array<i32>} : memref<2x128xi32, #tpu.memory_space<vmem>>, vector<1x16xi32>,
    %shift_right_logical3A_348 = arith.constant 16 : i32
    %shift_right_logical3A_349 = vector.broadcast %shift_right_logical3A_348 : i32 to vector<16xi32>
    %shift_right_logical3A_350 = arith.shrui %get3A_338, %shift_right_logical3A_349 : vector<16xi32>
    %swap3A_351 = arith.constant 1 : i32
    %swap3A_352 = arith.index_cast %swap3A_351 : i32 to index
    %swap3A_353 = arith.constant 96 : index
    %swap3A_354 = tpu.vector_load %arg8[%swap3A_352, %swap3A_353] {strides = array<i32>} : memref<2x128xi32, #tpu.memory_space<vmem>>, vector<1x16xi32>,
    %swap3A_355 = vector.shape_cast %swap3A_354 : vector<1x16xi32> to vector<16xi32>
    %swap3A_356 = vector.shape_cast %shift_right_logical3A_350 : vector<16xi32> to vector<1x16xi32>
    tpu.vector_store %arg8[%swap3A_352, %swap3A_353], %swap3A_356 {strides = array<i32>} : memref<2x128xi32, #tpu.memory_space<vmem>>, vector<1x16xi32>,
    %get3A_357 = arith.constant 1 : i32
    %get3A_358 = arith.index_cast %get3A_357 : i32 to index
    %get3A_359 = arith.constant 112 : index
    %get3A_360 = tpu.vector_load %arg6[%get3A_358, %get3A_359] {strides = array<i32>} : memref<80x128xi32, #tpu.memory_space<vmem>>, vector<1x16xi32>,
    %get3A_361 = vector.shape_cast %get3A_360 : vector<1x16xi32> to vector<16xi32>
    %and3A_362 = arith.constant 65535 : i32
    %and3A_363 = vector.broadcast %and3A_362 : i32 to vector<16xi32>
    %and3A_364 = arith.andi %get3A_361, %and3A_363 : vector<16xi32>
    %swap3A_365 = arith.constant 1 : i32
    %swap3A_366 = arith.index_cast %swap3A_365 : i32 to index
    %swap3A_367 = arith.constant 112 : index
    %swap3A_368 = tpu.vector_load %arg7[%swap3A_366, %swap3A_367] {strides = array<i32>} : memref<2x128xi32, #tpu.memory_space<vmem>>, vector<1x16xi32>,
    %swap3A_369 = vector.shape_cast %swap3A_368 : vector<1x16xi32> to vector<16xi32>
    %swap3A_370 = vector.shape_cast %and3A_364 : vector<16xi32> to vector<1x16xi32>
    tpu.vector_store %arg7[%swap3A_366, %swap3A_367], %swap3A_370 {strides = array<i32>} : memref<2x128xi32, #tpu.memory_space<vmem>>, vector<1x16xi32>,
    %shift_right_logical3A_371 = arith.constant 16 : i32
    %shift_right_logical3A_372 = vector.broadcast %shift_right_logical3A_371 : i32 to vector<16xi32>
    %shift_right_logical3A_373 = arith.shrui %get3A_361, %shift_right_logical3A_372 : vector<16xi32>
    %swap3A_374 = arith.constant 1 : i32
    %swap3A_375 = arith.index_cast %swap3A_374 : i32 to index
    %swap3A_376 = arith.constant 112 : index
    %swap3A_377 = tpu.vector_load %arg8[%swap3A_375, %swap3A_376] {strides = array<i32>} : memref<2x128xi32, #tpu.memory_space<vmem>>, vector<1x16xi32>,
    %swap3A_378 = vector.shape_cast %swap3A_377 : vector<1x16xi32> to vector<16xi32>
    %swap3A_379 = vector.shape_cast %shift_right_logical3A_373 : vector<16xi32> to vector<1x16xi32>
    tpu.vector_store %arg8[%swap3A_375, %swap3A_376], %swap3A_379 {strides = array<i32>} : memref<2x128xi32, #tpu.memory_space<vmem>>, vector<1x16xi32>,
    %dma_start3A_380 = arith.constant 1 : i32
    %dma_start3A_381 = arith.constant 1 : i32
    %dma_start3A_382 = arith.constant 0 : i32
    %dma_start3A_383 = arith.constant 0 : i32
    %dma_start3A_384 = tpu.memref_slice %arg9[%dma_start3A_381, %dma_start3A_382, %dma_start3A_383] : memref<2x128x64xi32, #tpu.memory_space<vmem>> -> memref<1x128x64xi32, #tpu.memory_space<vmem>>
    %dma_start3A_385 = tpu.memref_squeeze %dma_start3A_384 : memref<1x128x64xi32, #tpu.memory_space<vmem>> -> memref<128x64xi32, #tpu.memory_space<vmem>>
    %dma_start3A_386 = arith.constant 0 : i32
    %dma_start3A_387 = tpu.memref_slice %arg7[%dma_start3A_380, %dma_start3A_386] : memref<2x128xi32, #tpu.memory_space<vmem>> -> memref<1x128xi32, #tpu.memory_space<vmem>>
    %dma_start3A_388 = tpu.memref_squeeze %dma_start3A_387 : memref<1x128xi32, #tpu.memory_space<vmem>> -> memref<128xi32, #tpu.memory_space<vmem>>
    %dma_start3A_389 = arith.constant 0 : i32
    %dma_start3A_390 = arith.constant 0 : i32
    %dma_start3A_391 = tpu.memref_slice %arg2[%dma_start3A_389, %dma_start3A_390] : memref<10112x64xi32, #tpu.memory_space<hbm>> -> memref<10112x64xi32, #tpu.memory_space<hbm>>
    tpu.enqueue_indirect_dma source(%dma_start3A_391 : memref<10112x64xi32, #tpu.memory_space<hbm>>) target(%dma_start3A_385 : memref<128x64xi32, #tpu.memory_space<vmem>>) offsets(%dma_start3A_388 : memref<128xi32, #tpu.memory_space<vmem>>) semaphore(%arg13 : memref<!tpu.dma_semaphore, #tpu.memory_space<semaphore_mem>>)
    "tpu.region"() ({
      %run_scoped3A = tpu.sem_alloc : memref<!tpu.dma_semaphore, #tpu.memory_space<semaphore_mem>>
      %dma_start3A_398 = arith.constant 0 : i32
      %dma_start3A_399 = tpu.memref_slice %arg11[%mul3A_2, %dma_start3A_398] : memref<10112x128xf32, #tpu.memory_space<vmem_shared>> -> memref<632x128xf32, #tpu.memory_space<vmem_shared>>
      tpu.enqueue_dma source(%arg4 : memref<632x128xf32, #tpu.memory_space<hbm>>) target(%dma_start3A_399 : memref<632x128xf32, #tpu.memory_space<vmem_shared>>) target_semaphore(%run_scoped3A : memref<!tpu.dma_semaphore, #tpu.memory_space<semaphore_mem>>)
      %dma_wait3A = arith.constant 0 : i32
      %dma_wait3A_400 = tpu.memref_slice %arg11[%mul3A_2, %dma_wait3A] : memref<10112x128xf32, #tpu.memory_space<vmem_shared>> -> memref<632x128xf32, #tpu.memory_space<vmem_shared>>
      tpu.wait_dma2 semaphore(%run_scoped3A : memref<!tpu.dma_semaphore, #tpu.memory_space<semaphore_mem>>) src(%arg4 : memref<632x128xf32, #tpu.memory_space<hbm>>) dst(%dma_wait3A_400 : memref<632x128xf32, #tpu.memory_space<vmem_shared>>)
      tpu.yield
    }) : () -> ()
    %barrier3A = arith.constant 0 : index
    tpu.barrier barrier_id(%barrier3A)
    %scan3A = arith.constant 0 : i32
    %scan3A_392 = arith.constant 0 : i32
    %scan3A_393 = arith.constant 40 : i32
    %scan3A_394 = arith.addi %scan3A_392, %scan3A_393 : i32
    %scan3A_395 = arith.constant 1 : i32
    scf.for %scan3A_398 = %scan3A_392 to %scan3A_394 step %scan3A_395  : i32 {
      %mul3A_399 = arith.constant 2 : i32
      %mul3A_400 = arith.muli %scan3A_398, %mul3A_399 : i32
      %add3A_401 = arith.constant 0 : i32
      %add3A_402 = arith.addi %mul3A_400, %add3A_401 : i32
      %dma_wait3A = arith.constant 0 : i32
      %dma_wait3A_403 = arith.constant 0 : i32
      %dma_wait3A_404 = arith.constant 0 : i32
      %dma_wait3A_405 = arith.constant 0 : i32
      %dma_wait3A_406 = tpu.memref_slice %arg9[%dma_wait3A_403, %dma_wait3A_404, %dma_wait3A_405] : memref<2x128x64xi32, #tpu.memory_space<vmem>> -> memref<1x128x64xi32, #tpu.memory_space<vmem>>
      %dma_wait3A_407 = tpu.memref_squeeze %dma_wait3A_406 : memref<1x128x64xi32, #tpu.memory_space<vmem>> -> memref<128x64xi32, #tpu.memory_space<vmem>>
      %dma_wait3A_408 = arith.constant 0 : i32
      %dma_wait3A_409 = tpu.memref_slice %arg7[%dma_wait3A, %dma_wait3A_408] : memref<2x128xi32, #tpu.memory_space<vmem>> -> memref<1x128xi32, #tpu.memory_space<vmem>>
      %dma_wait3A_410 = tpu.memref_squeeze %dma_wait3A_409 : memref<1x128xi32, #tpu.memory_space<vmem>> -> memref<128xi32, #tpu.memory_space<vmem>>
      %dma_wait3A_411 = arith.constant 0 : i32
      %dma_wait3A_412 = arith.constant 0 : i32
      %dma_wait3A_413 = tpu.memref_slice %arg2[%dma_wait3A_411, %dma_wait3A_412] : memref<10112x64xi32, #tpu.memory_space<hbm>> -> memref<10112x64xi32, #tpu.memory_space<hbm>>
      tpu.wait_indirect_dma semaphore(%arg12 : memref<!tpu.dma_semaphore, #tpu.memory_space<semaphore_mem>>) src(%dma_wait3A_413 : memref<10112x64xi32, #tpu.memory_space<hbm>>) dst(%dma_wait3A_407 : memref<128x64xi32, #tpu.memory_space<vmem>>)
      %parallel_loop3A = arith.constant 0 : i32
      %parallel_loop3A_414 = arith.constant 128 : i32
      %parallel_loop3A_415 = arith.constant 1 : i32
      scf.for %parallel_loop3A_447 = %parallel_loop3A to %parallel_loop3A_414 step %parallel_loop3A_415  : i32 {
        %parallel_loop3A_448 = arith.constant 0 : i32
        %parallel_loop3A_449 = arith.index_cast %parallel_loop3A_448 : i32 to index
        %parallel_loop3A_450 = arith.index_cast %parallel_loop3A_447 : i32 to index
        %parallel_loop3A_451 = arith.constant 0 : index
        %parallel_loop3A_452 = tpu.vector_load %arg9[%parallel_loop3A_449, %parallel_loop3A_450, %parallel_loop3A_451] {strides = array<i32>} : memref<2x128x64xi32, #tpu.memory_space<vmem>>, vector<1x1x16xi32>,
        %parallel_loop3A_453 = vector.shape_cast %parallel_loop3A_452 : vector<1x1x16xi32> to vector<16xi32>
        %parallel_loop3A_454 = arith.constant 16 : i32
        %parallel_loop3A_455 = vector.broadcast %parallel_loop3A_454 : i32 to vector<16xi32>
        %parallel_loop3A_456 = arith.shli %parallel_loop3A_453, %parallel_loop3A_455 : vector<16xi32>
        %parallel_loop3A_457 = tpu.bitcast %parallel_loop3A_456 : vector<16xi32> -> vector<16xf32>
        %parallel_loop3A_458 = arith.index_cast %parallel_loop3A_447 : i32 to index
        %parallel_loop3A_459 = arith.constant 0 : index
        %parallel_loop3A_460 = tpu.vector_load %arg10[%parallel_loop3A_458, %parallel_loop3A_459] {strides = array<i32>} : memref<128x128xf32, #tpu.memory_space<vmem>>, vector<1x16xf32>,
        %parallel_loop3A_461 = vector.shape_cast %parallel_loop3A_460 : vector<1x16xf32> to vector<16xf32>
        %parallel_loop3A_462 = vector.shape_cast %parallel_loop3A_457 : vector<16xf32> to vector<1x16xf32>
        tpu.vector_store %arg10[%parallel_loop3A_458, %parallel_loop3A_459], %parallel_loop3A_462 {strides = array<i32>} : memref<128x128xf32, #tpu.memory_space<vmem>>, vector<1x16xf32>,
        %parallel_loop3A_463 = arith.constant -65536 : i32
        %parallel_loop3A_464 = vector.broadcast %parallel_loop3A_463 : i32 to vector<16xi32>
        %parallel_loop3A_465 = arith.andi %parallel_loop3A_453, %parallel_loop3A_464 : vector<16xi32>
        %parallel_loop3A_466 = tpu.bitcast %parallel_loop3A_465 : vector<16xi32> -> vector<16xf32>
        %parallel_loop3A_467 = arith.index_cast %parallel_loop3A_447 : i32 to index
        %parallel_loop3A_468 = arith.constant 64 : index
        %parallel_loop3A_469 = tpu.vector_load %arg10[%parallel_loop3A_467, %parallel_loop3A_468] {strides = array<i32>} : memref<128x128xf32, #tpu.memory_space<vmem>>, vector<1x16xf32>,
        %parallel_loop3A_470 = vector.shape_cast %parallel_loop3A_469 : vector<1x16xf32> to vector<16xf32>
        %parallel_loop3A_471 = vector.shape_cast %parallel_loop3A_466 : vector<16xf32> to vector<1x16xf32>
        tpu.vector_store %arg10[%parallel_loop3A_467, %parallel_loop3A_468], %parallel_loop3A_471 {strides = array<i32>} : memref<128x128xf32, #tpu.memory_space<vmem>>, vector<1x16xf32>,
        %parallel_loop3A_472 = arith.constant 0 : i32
        %parallel_loop3A_473 = arith.index_cast %parallel_loop3A_472 : i32 to index
        %parallel_loop3A_474 = arith.index_cast %parallel_loop3A_447 : i32 to index
        %parallel_loop3A_475 = arith.constant 16 : index
        %parallel_loop3A_476 = tpu.vector_load %arg9[%parallel_loop3A_473, %parallel_loop3A_474, %parallel_loop3A_475] {strides = array<i32>} : memref<2x128x64xi32, #tpu.memory_space<vmem>>, vector<1x1x16xi32>,
        %parallel_loop3A_477 = vector.shape_cast %parallel_loop3A_476 : vector<1x1x16xi32> to vector<16xi32>
        %parallel_loop3A_478 = arith.constant 16 : i32
        %parallel_loop3A_479 = vector.broadcast %parallel_loop3A_478 : i32 to vector<16xi32>
        %parallel_loop3A_480 = arith.shli %parallel_loop3A_477, %parallel_loop3A_479 : vector<16xi32>
        %parallel_loop3A_481 = tpu.bitcast %parallel_loop3A_480 : vector<16xi32> -> vector<16xf32>
        %parallel_loop3A_482 = arith.index_cast %parallel_loop3A_447 : i32 to index
        %parallel_loop3A_483 = arith.constant 16 : index
        %parallel_loop3A_484 = tpu.vector_load %arg10[%parallel_loop3A_482, %parallel_loop3A_483] {strides = array<i32>} : memref<128x128xf32, #tpu.memory_space<vmem>>, vector<1x16xf32>,
        %parallel_loop3A_485 = vector.shape_cast %parallel_loop3A_484 : vector<1x16xf32> to vector<16xf32>
        %parallel_loop3A_486 = vector.shape_cast %parallel_loop3A_481 : vector<16xf32> to vector<1x16xf32>
        tpu.vector_store %arg10[%parallel_loop3A_482, %parallel_loop3A_483], %parallel_loop3A_486 {strides = array<i32>} : memref<128x128xf32, #tpu.memory_space<vmem>>, vector<1x16xf32>,
        %parallel_loop3A_487 = arith.constant -65536 : i32
        %parallel_loop3A_488 = vector.broadcast %parallel_loop3A_487 : i32 to vector<16xi32>
        %parallel_loop3A_489 = arith.andi %parallel_loop3A_477, %parallel_loop3A_488 : vector<16xi32>
        %parallel_loop3A_490 = tpu.bitcast %parallel_loop3A_489 : vector<16xi32> -> vector<16xf32>
        %parallel_loop3A_491 = arith.index_cast %parallel_loop3A_447 : i32 to index
        %parallel_loop3A_492 = arith.constant 80 : index
        %parallel_loop3A_493 = tpu.vector_load %arg10[%parallel_loop3A_491, %parallel_loop3A_492] {strides = array<i32>} : memref<128x128xf32, #tpu.memory_space<vmem>>, vector<1x16xf32>,
        %parallel_loop3A_494 = vector.shape_cast %parallel_loop3A_493 : vector<1x16xf32> to vector<16xf32>
        %parallel_loop3A_495 = vector.shape_cast %parallel_loop3A_490 : vector<16xf32> to vector<1x16xf32>
        tpu.vector_store %arg10[%parallel_loop3A_491, %parallel_loop3A_492], %parallel_loop3A_495 {strides = array<i32>} : memref<128x128xf32, #tpu.memory_space<vmem>>, vector<1x16xf32>,
        %parallel_loop3A_496 = arith.constant 0 : i32
        %parallel_loop3A_497 = arith.index_cast %parallel_loop3A_496 : i32 to index
        %parallel_loop3A_498 = arith.index_cast %parallel_loop3A_447 : i32 to index
        %parallel_loop3A_499 = arith.constant 32 : index
        %parallel_loop3A_500 = tpu.vector_load %arg9[%parallel_loop3A_497, %parallel_loop3A_498, %parallel_loop3A_499] {strides = array<i32>} : memref<2x128x64xi32, #tpu.memory_space<vmem>>, vector<1x1x16xi32>,
        %parallel_loop3A_501 = vector.shape_cast %parallel_loop3A_500 : vector<1x1x16xi32> to vector<16xi32>
        %parallel_loop3A_502 = arith.constant 16 : i32
        %parallel_loop3A_503 = vector.broadcast %parallel_loop3A_502 : i32 to vector<16xi32>
        %parallel_loop3A_504 = arith.shli %parallel_loop3A_501, %parallel_loop3A_503 : vector<16xi32>
        %parallel_loop3A_505 = tpu.bitcast %parallel_loop3A_504 : vector<16xi32> -> vector<16xf32>
        %parallel_loop3A_506 = arith.index_cast %parallel_loop3A_447 : i32 to index
        %parallel_loop3A_507 = arith.constant 32 : index
        %parallel_loop3A_508 = tpu.vector_load %arg10[%parallel_loop3A_506, %parallel_loop3A_507] {strides = array<i32>} : memref<128x128xf32, #tpu.memory_space<vmem>>, vector<1x16xf32>,
        %parallel_loop3A_509 = vector.shape_cast %parallel_loop3A_508 : vector<1x16xf32> to vector<16xf32>
        %parallel_loop3A_510 = vector.shape_cast %parallel_loop3A_505 : vector<16xf32> to vector<1x16xf32>
        tpu.vector_store %arg10[%parallel_loop3A_506, %parallel_loop3A_507], %parallel_loop3A_510 {strides = array<i32>} : memref<128x128xf32, #tpu.memory_space<vmem>>, vector<1x16xf32>,
        %parallel_loop3A_511 = arith.constant -65536 : i32
        %parallel_loop3A_512 = vector.broadcast %parallel_loop3A_511 : i32 to vector<16xi32>
        %parallel_loop3A_513 = arith.andi %parallel_loop3A_501, %parallel_loop3A_512 : vector<16xi32>
        %parallel_loop3A_514 = tpu.bitcast %parallel_loop3A_513 : vector<16xi32> -> vector<16xf32>
        %parallel_loop3A_515 = arith.index_cast %parallel_loop3A_447 : i32 to index
        %parallel_loop3A_516 = arith.constant 96 : index
        %parallel_loop3A_517 = tpu.vector_load %arg10[%parallel_loop3A_515, %parallel_loop3A_516] {strides = array<i32>} : memref<128x128xf32, #tpu.memory_space<vmem>>, vector<1x16xf32>,
        %parallel_loop3A_518 = vector.shape_cast %parallel_loop3A_517 : vector<1x16xf32> to vector<16xf32>
        %parallel_loop3A_519 = vector.shape_cast %parallel_loop3A_514 : vector<16xf32> to vector<1x16xf32>
        tpu.vector_store %arg10[%parallel_loop3A_515, %parallel_loop3A_516], %parallel_loop3A_519 {strides = array<i32>} : memref<128x128xf32, #tpu.memory_space<vmem>>, vector<1x16xf32>,
        %parallel_loop3A_520 = arith.constant 0 : i32
        %parallel_loop3A_521 = arith.index_cast %parallel_loop3A_520 : i32 to index
        %parallel_loop3A_522 = arith.index_cast %parallel_loop3A_447 : i32 to index
        %parallel_loop3A_523 = arith.constant 48 : index
        %parallel_loop3A_524 = tpu.vector_load %arg9[%parallel_loop3A_521, %parallel_loop3A_522, %parallel_loop3A_523] {strides = array<i32>} : memref<2x128x64xi32, #tpu.memory_space<vmem>>, vector<1x1x16xi32>,
        %parallel_loop3A_525 = vector.shape_cast %parallel_loop3A_524 : vector<1x1x16xi32> to vector<16xi32>
        %parallel_loop3A_526 = arith.constant 16 : i32
        %parallel_loop3A_527 = vector.broadcast %parallel_loop3A_526 : i32 to vector<16xi32>
        %parallel_loop3A_528 = arith.shli %parallel_loop3A_525, %parallel_loop3A_527 : vector<16xi32>
        %parallel_loop3A_529 = tpu.bitcast %parallel_loop3A_528 : vector<16xi32> -> vector<16xf32>
        %parallel_loop3A_530 = arith.index_cast %parallel_loop3A_447 : i32 to index
        %parallel_loop3A_531 = arith.constant 48 : index
        %parallel_loop3A_532 = tpu.vector_load %arg10[%parallel_loop3A_530, %parallel_loop3A_531] {strides = array<i32>} : memref<128x128xf32, #tpu.memory_space<vmem>>, vector<1x16xf32>,
        %parallel_loop3A_533 = vector.shape_cast %parallel_loop3A_532 : vector<1x16xf32> to vector<16xf32>
        %parallel_loop3A_534 = vector.shape_cast %parallel_loop3A_529 : vector<16xf32> to vector<1x16xf32>
        tpu.vector_store %arg10[%parallel_loop3A_530, %parallel_loop3A_531], %parallel_loop3A_534 {strides = array<i32>} : memref<128x128xf32, #tpu.memory_space<vmem>>, vector<1x16xf32>,
        %parallel_loop3A_535 = arith.constant -65536 : i32
        %parallel_loop3A_536 = vector.broadcast %parallel_loop3A_535 : i32 to vector<16xi32>
        %parallel_loop3A_537 = arith.andi %parallel_loop3A_525, %parallel_loop3A_536 : vector<16xi32>
        %parallel_loop3A_538 = tpu.bitcast %parallel_loop3A_537 : vector<16xi32> -> vector<16xf32>
        %parallel_loop3A_539 = arith.index_cast %parallel_loop3A_447 : i32 to index
        %parallel_loop3A_540 = arith.constant 112 : index
        %parallel_loop3A_541 = tpu.vector_load %arg10[%parallel_loop3A_539, %parallel_loop3A_540] {strides = array<i32>} : memref<128x128xf32, #tpu.memory_space<vmem>>, vector<1x16xf32>,
        %parallel_loop3A_542 = vector.shape_cast %parallel_loop3A_541 : vector<1x16xf32> to vector<16xf32>
        %parallel_loop3A_543 = vector.shape_cast %parallel_loop3A_538 : vector<16xf32> to vector<1x16xf32>
        tpu.vector_store %arg10[%parallel_loop3A_539, %parallel_loop3A_540], %parallel_loop3A_543 {strides = array<i32>} : memref<128x128xf32, #tpu.memory_space<vmem>>, vector<1x16xf32>,
      } {sc.loop_unroll_factor = 8 : i64, sc.parallel_access}
      %run_scoped3A = arith.constant 0 : i32
      "tpu.region"() ({
        %run_scoped3A_447 = tpu.sem_alloc : memref<!tpu.dma_semaphore, #tpu.memory_space<semaphore_mem>>
        %dma_start3A_448 = arith.constant 0 : i32
        %dma_start3A_449 = tpu.memref_slice %arg8[%run_scoped3A, %dma_start3A_448] : memref<2x128xi32, #tpu.memory_space<vmem>> -> memref<1x128xi32, #tpu.memory_space<vmem>>
        %dma_start3A_450 = tpu.memref_squeeze %dma_start3A_449 : memref<1x128xi32, #tpu.memory_space<vmem>> -> memref<128xi32, #tpu.memory_space<vmem>>
        %dma_start3A_451 = arith.constant 0 : i32
        %dma_start3A_452 = arith.constant 0 : i32
        %dma_start3A_453 = tpu.memref_slice %arg11[%dma_start3A_451, %dma_start3A_452] : memref<10112x128xf32, #tpu.memory_space<vmem_shared>> -> memref<10112x128xf32, #tpu.memory_space<vmem_shared>>
        tpu.enqueue_indirect_dma source(%arg10 : memref<128x128xf32, #tpu.memory_space<vmem>>) target(%dma_start3A_453 : memref<10112x128xf32, #tpu.memory_space<vmem_shared>>) offsets(%dma_start3A_450 : memref<128xi32, #tpu.memory_space<vmem>>) semaphore(%run_scoped3A_447 : memref<!tpu.dma_semaphore, #tpu.memory_space<semaphore_mem>>) {add = true}
        %dma_wait3A_454 = arith.constant 0 : i32
        %dma_wait3A_455 = tpu.memref_slice %arg8[%run_scoped3A, %dma_wait3A_454] : memref<2x128xi32, #tpu.memory_space<vmem>> -> memref<1x128xi32, #tpu.memory_space<vmem>>
        %dma_wait3A_456 = tpu.memref_squeeze %dma_wait3A_455 : memref<1x128xi32, #tpu.memory_space<vmem>> -> memref<128xi32, #tpu.memory_space<vmem>>
        %dma_wait3A_457 = arith.constant 0 : i32
        %dma_wait3A_458 = arith.constant 0 : i32
        %dma_wait3A_459 = tpu.memref_slice %arg11[%dma_wait3A_457, %dma_wait3A_458] : memref<10112x128xf32, #tpu.memory_space<vmem_shared>> -> memref<10112x128xf32, #tpu.memory_space<vmem_shared>>
        tpu.wait_indirect_dma semaphore(%run_scoped3A_447 : memref<!tpu.dma_semaphore, #tpu.memory_space<semaphore_mem>>) src(%arg10 : memref<128x128xf32, #tpu.memory_space<vmem>>) dst(%dma_wait3A_459 : memref<10112x128xf32, #tpu.memory_space<vmem_shared>>)
        tpu.yield
      }) : () -> ()
      %add3A_416 = arith.constant 2 : i32
      %add3A_417 = arith.addi %add3A_402, %add3A_416 : i32
      %lt3A = arith.constant 80 : i32
      %lt3A_418 = arith.cmpi slt, %add3A_417, %lt3A : i32
      %convert_element_type3A = arith.extui %lt3A_418 : i1 to i32
      %cond3A = arith.constant 0 : i32
      %cond3A_419 = arith.cmpi ne, %convert_element_type3A, %cond3A : i32
      scf.if %cond3A_419 {
        %add3A_447 = arith.constant 2 : i32
        %add3A_448 = arith.addi %add3A_402, %add3A_447 : i32
        %get3A_449 = arith.index_cast %add3A_448 : i32 to index
        %get3A_450 = arith.constant 0 : index
        %get3A_451 = tpu.vector_load %arg6[%get3A_449, %get3A_450] {strides = array<i32>} : memref<80x128xi32, #tpu.memory_space<vmem>>, vector<1x16xi32>,
        %get3A_452 = vector.shape_cast %get3A_451 : vector<1x16xi32> to vector<16xi32>
        %and3A_453 = arith.constant 65535 : i32
        %and3A_454 = vector.broadcast %and3A_453 : i32 to vector<16xi32>
        %and3A_455 = arith.andi %get3A_452, %and3A_454 : vector<16xi32>
        %swap3A_456 = arith.constant 0 : i32
        %swap3A_457 = arith.index_cast %swap3A_456 : i32 to index
        %swap3A_458 = arith.constant 0 : index
        %swap3A_459 = tpu.vector_load %arg7[%swap3A_457, %swap3A_458] {strides = array<i32>} : memref<2x128xi32, #tpu.memory_space<vmem>>, vector<1x16xi32>,
        %swap3A_460 = vector.shape_cast %swap3A_459 : vector<1x16xi32> to vector<16xi32>
        %swap3A_461 = vector.shape_cast %and3A_455 : vector<16xi32> to vector<1x16xi32>
        tpu.vector_store %arg7[%swap3A_457, %swap3A_458], %swap3A_461 {strides = array<i32>} : memref<2x128xi32, #tpu.memory_space<vmem>>, vector<1x16xi32>,
        %shift_right_logical3A_462 = arith.constant 16 : i32
        %shift_right_logical3A_463 = vector.broadcast %shift_right_logical3A_462 : i32 to vector<16xi32>
        %shift_right_logical3A_464 = arith.shrui %get3A_452, %shift_right_logical3A_463 : vector<16xi32>
        %swap3A_465 = arith.constant 0 : i32
        %swap3A_466 = arith.index_cast %swap3A_465 : i32 to index
        %swap3A_467 = arith.constant 0 : index
        %swap3A_468 = tpu.vector_load %arg8[%swap3A_466, %swap3A_467] {strides = array<i32>} : memref<2x128xi32, #tpu.memory_space<vmem>>, vector<1x16xi32>,
        %swap3A_469 = vector.shape_cast %swap3A_468 : vector<1x16xi32> to vector<16xi32>
        %swap3A_470 = vector.shape_cast %shift_right_logical3A_464 : vector<16xi32> to vector<1x16xi32>
        tpu.vector_store %arg8[%swap3A_466, %swap3A_467], %swap3A_470 {strides = array<i32>} : memref<2x128xi32, #tpu.memory_space<vmem>>, vector<1x16xi32>,
        %get3A_471 = arith.index_cast %add3A_448 : i32 to index
        %get3A_472 = arith.constant 16 : index
        %get3A_473 = tpu.vector_load %arg6[%get3A_471, %get3A_472] {strides = array<i32>} : memref<80x128xi32, #tpu.memory_space<vmem>>, vector<1x16xi32>,
        %get3A_474 = vector.shape_cast %get3A_473 : vector<1x16xi32> to vector<16xi32>
        %and3A_475 = arith.constant 65535 : i32
        %and3A_476 = vector.broadcast %and3A_475 : i32 to vector<16xi32>
        %and3A_477 = arith.andi %get3A_474, %and3A_476 : vector<16xi32>
        %swap3A_478 = arith.constant 0 : i32
        %swap3A_479 = arith.index_cast %swap3A_478 : i32 to index
        %swap3A_480 = arith.constant 16 : index
        %swap3A_481 = tpu.vector_load %arg7[%swap3A_479, %swap3A_480] {strides = array<i32>} : memref<2x128xi32, #tpu.memory_space<vmem>>, vector<1x16xi32>,
        %swap3A_482 = vector.shape_cast %swap3A_481 : vector<1x16xi32> to vector<16xi32>
        %swap3A_483 = vector.shape_cast %and3A_477 : vector<16xi32> to vector<1x16xi32>
        tpu.vector_store %arg7[%swap3A_479, %swap3A_480], %swap3A_483 {strides = array<i32>} : memref<2x128xi32, #tpu.memory_space<vmem>>, vector<1x16xi32>,
        %shift_right_logical3A_484 = arith.constant 16 : i32
        %shift_right_logical3A_485 = vector.broadcast %shift_right_logical3A_484 : i32 to vector<16xi32>
        %shift_right_logical3A_486 = arith.shrui %get3A_474, %shift_right_logical3A_485 : vector<16xi32>
        %swap3A_487 = arith.constant 0 : i32
        %swap3A_488 = arith.index_cast %swap3A_487 : i32 to index
        %swap3A_489 = arith.constant 16 : index
        %swap3A_490 = tpu.vector_load %arg8[%swap3A_488, %swap3A_489] {strides = array<i32>} : memref<2x128xi32, #tpu.memory_space<vmem>>, vector<1x16xi32>,
        %swap3A_491 = vector.shape_cast %swap3A_490 : vector<1x16xi32> to vector<16xi32>
        %swap3A_492 = vector.shape_cast %shift_right_logical3A_486 : vector<16xi32> to vector<1x16xi32>
        tpu.vector_store %arg8[%swap3A_488, %swap3A_489], %swap3A_492 {strides = array<i32>} : memref<2x128xi32, #tpu.memory_space<vmem>>, vector<1x16xi32>,
        %get3A_493 = arith.index_cast %add3A_448 : i32 to index
        %get3A_494 = arith.constant 32 : index
        %get3A_495 = tpu.vector_load %arg6[%get3A_493, %get3A_494] {strides = array<i32>} : memref<80x128xi32, #tpu.memory_space<vmem>>, vector<1x16xi32>,
        %get3A_496 = vector.shape_cast %get3A_495 : vector<1x16xi32> to vector<16xi32>
        %and3A_497 = arith.constant 65535 : i32
        %and3A_498 = vector.broadcast %and3A_497 : i32 to vector<16xi32>
        %and3A_499 = arith.andi %get3A_496, %and3A_498 : vector<16xi32>
        %swap3A_500 = arith.constant 0 : i32
        %swap3A_501 = arith.index_cast %swap3A_500 : i32 to index
        %swap3A_502 = arith.constant 32 : index
        %swap3A_503 = tpu.vector_load %arg7[%swap3A_501, %swap3A_502] {strides = array<i32>} : memref<2x128xi32, #tpu.memory_space<vmem>>, vector<1x16xi32>,
        %swap3A_504 = vector.shape_cast %swap3A_503 : vector<1x16xi32> to vector<16xi32>
        %swap3A_505 = vector.shape_cast %and3A_499 : vector<16xi32> to vector<1x16xi32>
        tpu.vector_store %arg7[%swap3A_501, %swap3A_502], %swap3A_505 {strides = array<i32>} : memref<2x128xi32, #tpu.memory_space<vmem>>, vector<1x16xi32>,
        %shift_right_logical3A_506 = arith.constant 16 : i32
        %shift_right_logical3A_507 = vector.broadcast %shift_right_logical3A_506 : i32 to vector<16xi32>
        %shift_right_logical3A_508 = arith.shrui %get3A_496, %shift_right_logical3A_507 : vector<16xi32>
        %swap3A_509 = arith.constant 0 : i32
        %swap3A_510 = arith.index_cast %swap3A_509 : i32 to index
        %swap3A_511 = arith.constant 32 : index
        %swap3A_512 = tpu.vector_load %arg8[%swap3A_510, %swap3A_511] {strides = array<i32>} : memref<2x128xi32, #tpu.memory_space<vmem>>, vector<1x16xi32>,
        %swap3A_513 = vector.shape_cast %swap3A_512 : vector<1x16xi32> to vector<16xi32>
        %swap3A_514 = vector.shape_cast %shift_right_logical3A_508 : vector<16xi32> to vector<1x16xi32>
        tpu.vector_store %arg8[%swap3A_510, %swap3A_511], %swap3A_514 {strides = array<i32>} : memref<2x128xi32, #tpu.memory_space<vmem>>, vector<1x16xi32>,
        %get3A_515 = arith.index_cast %add3A_448 : i32 to index
        %get3A_516 = arith.constant 48 : index
        %get3A_517 = tpu.vector_load %arg6[%get3A_515, %get3A_516] {strides = array<i32>} : memref<80x128xi32, #tpu.memory_space<vmem>>, vector<1x16xi32>,
        %get3A_518 = vector.shape_cast %get3A_517 : vector<1x16xi32> to vector<16xi32>
        %and3A_519 = arith.constant 65535 : i32
        %and3A_520 = vector.broadcast %and3A_519 : i32 to vector<16xi32>
        %and3A_521 = arith.andi %get3A_518, %and3A_520 : vector<16xi32>
        %swap3A_522 = arith.constant 0 : i32
        %swap3A_523 = arith.index_cast %swap3A_522 : i32 to index
        %swap3A_524 = arith.constant 48 : index
        %swap3A_525 = tpu.vector_load %arg7[%swap3A_523, %swap3A_524] {strides = array<i32>} : memref<2x128xi32, #tpu.memory_space<vmem>>, vector<1x16xi32>,
        %swap3A_526 = vector.shape_cast %swap3A_525 : vector<1x16xi32> to vector<16xi32>
        %swap3A_527 = vector.shape_cast %and3A_521 : vector<16xi32> to vector<1x16xi32>
        tpu.vector_store %arg7[%swap3A_523, %swap3A_524], %swap3A_527 {strides = array<i32>} : memref<2x128xi32, #tpu.memory_space<vmem>>, vector<1x16xi32>,
        %shift_right_logical3A_528 = arith.constant 16 : i32
        %shift_right_logical3A_529 = vector.broadcast %shift_right_logical3A_528 : i32 to vector<16xi32>
        %shift_right_logical3A_530 = arith.shrui %get3A_518, %shift_right_logical3A_529 : vector<16xi32>
        %swap3A_531 = arith.constant 0 : i32
        %swap3A_532 = arith.index_cast %swap3A_531 : i32 to index
        %swap3A_533 = arith.constant 48 : index
        %swap3A_534 = tpu.vector_load %arg8[%swap3A_532, %swap3A_533] {strides = array<i32>} : memref<2x128xi32, #tpu.memory_space<vmem>>, vector<1x16xi32>,
        %swap3A_535 = vector.shape_cast %swap3A_534 : vector<1x16xi32> to vector<16xi32>
        %swap3A_536 = vector.shape_cast %shift_right_logical3A_530 : vector<16xi32> to vector<1x16xi32>
        tpu.vector_store %arg8[%swap3A_532, %swap3A_533], %swap3A_536 {strides = array<i32>} : memref<2x128xi32, #tpu.memory_space<vmem>>, vector<1x16xi32>,
        %get3A_537 = arith.index_cast %add3A_448 : i32 to index
        %get3A_538 = arith.constant 64 : index
        %get3A_539 = tpu.vector_load %arg6[%get3A_537, %get3A_538] {strides = array<i32>} : memref<80x128xi32, #tpu.memory_space<vmem>>, vector<1x16xi32>,
        %get3A_540 = vector.shape_cast %get3A_539 : vector<1x16xi32> to vector<16xi32>
        %and3A_541 = arith.constant 65535 : i32
        %and3A_542 = vector.broadcast %and3A_541 : i32 to vector<16xi32>
        %and3A_543 = arith.andi %get3A_540, %and3A_542 : vector<16xi32>
        %swap3A_544 = arith.constant 0 : i32
        %swap3A_545 = arith.index_cast %swap3A_544 : i32 to index
        %swap3A_546 = arith.constant 64 : index
        %swap3A_547 = tpu.vector_load %arg7[%swap3A_545, %swap3A_546] {strides = array<i32>} : memref<2x128xi32, #tpu.memory_space<vmem>>, vector<1x16xi32>,
        %swap3A_548 = vector.shape_cast %swap3A_547 : vector<1x16xi32> to vector<16xi32>
        %swap3A_549 = vector.shape_cast %and3A_543 : vector<16xi32> to vector<1x16xi32>
        tpu.vector_store %arg7[%swap3A_545, %swap3A_546], %swap3A_549 {strides = array<i32>} : memref<2x128xi32, #tpu.memory_space<vmem>>, vector<1x16xi32>,
        %shift_right_logical3A_550 = arith.constant 16 : i32
        %shift_right_logical3A_551 = vector.broadcast %shift_right_logical3A_550 : i32 to vector<16xi32>
        %shift_right_logical3A_552 = arith.shrui %get3A_540, %shift_right_logical3A_551 : vector<16xi32>
        %swap3A_553 = arith.constant 0 : i32
        %swap3A_554 = arith.index_cast %swap3A_553 : i32 to index
        %swap3A_555 = arith.constant 64 : index
        %swap3A_556 = tpu.vector_load %arg8[%swap3A_554, %swap3A_555] {strides = array<i32>} : memref<2x128xi32, #tpu.memory_space<vmem>>, vector<1x16xi32>,
        %swap3A_557 = vector.shape_cast %swap3A_556 : vector<1x16xi32> to vector<16xi32>
        %swap3A_558 = vector.shape_cast %shift_right_logical3A_552 : vector<16xi32> to vector<1x16xi32>
        tpu.vector_store %arg8[%swap3A_554, %swap3A_555], %swap3A_558 {strides = array<i32>} : memref<2x128xi32, #tpu.memory_space<vmem>>, vector<1x16xi32>,
        %get3A_559 = arith.index_cast %add3A_448 : i32 to index
        %get3A_560 = arith.constant 80 : index
        %get3A_561 = tpu.vector_load %arg6[%get3A_559, %get3A_560] {strides = array<i32>} : memref<80x128xi32, #tpu.memory_space<vmem>>, vector<1x16xi32>,
        %get3A_562 = vector.shape_cast %get3A_561 : vector<1x16xi32> to vector<16xi32>
        %and3A_563 = arith.constant 65535 : i32
        %and3A_564 = vector.broadcast %and3A_563 : i32 to vector<16xi32>
        %and3A_565 = arith.andi %get3A_562, %and3A_564 : vector<16xi32>
        %swap3A_566 = arith.constant 0 : i32
        %swap3A_567 = arith.index_cast %swap3A_566 : i32 to index
        %swap3A_568 = arith.constant 80 : index
        %swap3A_569 = tpu.vector_load %arg7[%swap3A_567, %swap3A_568] {strides = array<i32>} : memref<2x128xi32, #tpu.memory_space<vmem>>, vector<1x16xi32>,
        %swap3A_570 = vector.shape_cast %swap3A_569 : vector<1x16xi32> to vector<16xi32>
        %swap3A_571 = vector.shape_cast %and3A_565 : vector<16xi32> to vector<1x16xi32>
        tpu.vector_store %arg7[%swap3A_567, %swap3A_568], %swap3A_571 {strides = array<i32>} : memref<2x128xi32, #tpu.memory_space<vmem>>, vector<1x16xi32>,
        %shift_right_logical3A_572 = arith.constant 16 : i32
        %shift_right_logical3A_573 = vector.broadcast %shift_right_logical3A_572 : i32 to vector<16xi32>
        %shift_right_logical3A_574 = arith.shrui %get3A_562, %shift_right_logical3A_573 : vector<16xi32>
        %swap3A_575 = arith.constant 0 : i32
        %swap3A_576 = arith.index_cast %swap3A_575 : i32 to index
        %swap3A_577 = arith.constant 80 : index
        %swap3A_578 = tpu.vector_load %arg8[%swap3A_576, %swap3A_577] {strides = array<i32>} : memref<2x128xi32, #tpu.memory_space<vmem>>, vector<1x16xi32>,
        %swap3A_579 = vector.shape_cast %swap3A_578 : vector<1x16xi32> to vector<16xi32>
        %swap3A_580 = vector.shape_cast %shift_right_logical3A_574 : vector<16xi32> to vector<1x16xi32>
        tpu.vector_store %arg8[%swap3A_576, %swap3A_577], %swap3A_580 {strides = array<i32>} : memref<2x128xi32, #tpu.memory_space<vmem>>, vector<1x16xi32>,
        %get3A_581 = arith.index_cast %add3A_448 : i32 to index
        %get3A_582 = arith.constant 96 : index
        %get3A_583 = tpu.vector_load %arg6[%get3A_581, %get3A_582] {strides = array<i32>} : memref<80x128xi32, #tpu.memory_space<vmem>>, vector<1x16xi32>,
        %get3A_584 = vector.shape_cast %get3A_583 : vector<1x16xi32> to vector<16xi32>
        %and3A_585 = arith.constant 65535 : i32
        %and3A_586 = vector.broadcast %and3A_585 : i32 to vector<16xi32>
        %and3A_587 = arith.andi %get3A_584, %and3A_586 : vector<16xi32>
        %swap3A_588 = arith.constant 0 : i32
        %swap3A_589 = arith.index_cast %swap3A_588 : i32 to index
        %swap3A_590 = arith.constant 96 : index
        %swap3A_591 = tpu.vector_load %arg7[%swap3A_589, %swap3A_590] {strides = array<i32>} : memref<2x128xi32, #tpu.memory_space<vmem>>, vector<1x16xi32>,
        %swap3A_592 = vector.shape_cast %swap3A_591 : vector<1x16xi32> to vector<16xi32>
        %swap3A_593 = vector.shape_cast %and3A_587 : vector<16xi32> to vector<1x16xi32>
        tpu.vector_store %arg7[%swap3A_589, %swap3A_590], %swap3A_593 {strides = array<i32>} : memref<2x128xi32, #tpu.memory_space<vmem>>, vector<1x16xi32>,
        %shift_right_logical3A_594 = arith.constant 16 : i32
        %shift_right_logical3A_595 = vector.broadcast %shift_right_logical3A_594 : i32 to vector<16xi32>
        %shift_right_logical3A_596 = arith.shrui %get3A_584, %shift_right_logical3A_595 : vector<16xi32>
        %swap3A_597 = arith.constant 0 : i32
        %swap3A_598 = arith.index_cast %swap3A_597 : i32 to index
        %swap3A_599 = arith.constant 96 : index
        %swap3A_600 = tpu.vector_load %arg8[%swap3A_598, %swap3A_599] {strides = array<i32>} : memref<2x128xi32, #tpu.memory_space<vmem>>, vector<1x16xi32>,
        %swap3A_601 = vector.shape_cast %swap3A_600 : vector<1x16xi32> to vector<16xi32>
        %swap3A_602 = vector.shape_cast %shift_right_logical3A_596 : vector<16xi32> to vector<1x16xi32>
        tpu.vector_store %arg8[%swap3A_598, %swap3A_599], %swap3A_602 {strides = array<i32>} : memref<2x128xi32, #tpu.memory_space<vmem>>, vector<1x16xi32>,
        %get3A_603 = arith.index_cast %add3A_448 : i32 to index
        %get3A_604 = arith.constant 112 : index
        %get3A_605 = tpu.vector_load %arg6[%get3A_603, %get3A_604] {strides = array<i32>} : memref<80x128xi32, #tpu.memory_space<vmem>>, vector<1x16xi32>,
        %get3A_606 = vector.shape_cast %get3A_605 : vector<1x16xi32> to vector<16xi32>
        %and3A_607 = arith.constant 65535 : i32
        %and3A_608 = vector.broadcast %and3A_607 : i32 to vector<16xi32>
        %and3A_609 = arith.andi %get3A_606, %and3A_608 : vector<16xi32>
        %swap3A_610 = arith.constant 0 : i32
        %swap3A_611 = arith.index_cast %swap3A_610 : i32 to index
        %swap3A_612 = arith.constant 112 : index
        %swap3A_613 = tpu.vector_load %arg7[%swap3A_611, %swap3A_612] {strides = array<i32>} : memref<2x128xi32, #tpu.memory_space<vmem>>, vector<1x16xi32>,
        %swap3A_614 = vector.shape_cast %swap3A_613 : vector<1x16xi32> to vector<16xi32>
        %swap3A_615 = vector.shape_cast %and3A_609 : vector<16xi32> to vector<1x16xi32>
        tpu.vector_store %arg7[%swap3A_611, %swap3A_612], %swap3A_615 {strides = array<i32>} : memref<2x128xi32, #tpu.memory_space<vmem>>, vector<1x16xi32>,
        %shift_right_logical3A_616 = arith.constant 16 : i32
        %shift_right_logical3A_617 = vector.broadcast %shift_right_logical3A_616 : i32 to vector<16xi32>
        %shift_right_logical3A_618 = arith.shrui %get3A_606, %shift_right_logical3A_617 : vector<16xi32>
        %swap3A_619 = arith.constant 0 : i32
        %swap3A_620 = arith.index_cast %swap3A_619 : i32 to index
        %swap3A_621 = arith.constant 112 : index
        %swap3A_622 = tpu.vector_load %arg8[%swap3A_620, %swap3A_621] {strides = array<i32>} : memref<2x128xi32, #tpu.memory_space<vmem>>, vector<1x16xi32>,
        %swap3A_623 = vector.shape_cast %swap3A_622 : vector<1x16xi32> to vector<16xi32>
        %swap3A_624 = vector.shape_cast %shift_right_logical3A_618 : vector<16xi32> to vector<1x16xi32>
        tpu.vector_store %arg8[%swap3A_620, %swap3A_621], %swap3A_624 {strides = array<i32>} : memref<2x128xi32, #tpu.memory_space<vmem>>, vector<1x16xi32>,
        %dma_start3A_625 = arith.constant 0 : i32
        %dma_start3A_626 = arith.constant 0 : i32
        %dma_start3A_627 = arith.constant 0 : i32
        %dma_start3A_628 = arith.constant 0 : i32
        %dma_start3A_629 = tpu.memref_slice %arg9[%dma_start3A_626, %dma_start3A_627, %dma_start3A_628] : memref<2x128x64xi32, #tpu.memory_space<vmem>> -> memref<1x128x64xi32, #tpu.memory_space<vmem>>
        %dma_start3A_630 = tpu.memref_squeeze %dma_start3A_629 : memref<1x128x64xi32, #tpu.memory_space<vmem>> -> memref<128x64xi32, #tpu.memory_space<vmem>>
        %dma_start3A_631 = arith.constant 0 : i32
        %dma_start3A_632 = tpu.memref_slice %arg7[%dma_start3A_625, %dma_start3A_631] : memref<2x128xi32, #tpu.memory_space<vmem>> -> memref<1x128xi32, #tpu.memory_space<vmem>>
        %dma_start3A_633 = tpu.memref_squeeze %dma_start3A_632 : memref<1x128xi32, #tpu.memory_space<vmem>> -> memref<128xi32, #tpu.memory_space<vmem>>
        %dma_start3A_634 = arith.constant 0 : i32
        %dma_start3A_635 = arith.constant 0 : i32
        %dma_start3A_636 = tpu.memref_slice %arg2[%dma_start3A_634, %dma_start3A_635] : memref<10112x64xi32, #tpu.memory_space<hbm>> -> memref<10112x64xi32, #tpu.memory_space<hbm>>
        tpu.enqueue_indirect_dma source(%dma_start3A_636 : memref<10112x64xi32, #tpu.memory_space<hbm>>) target(%dma_start3A_630 : memref<128x64xi32, #tpu.memory_space<vmem>>) offsets(%dma_start3A_633 : memref<128xi32, #tpu.memory_space<vmem>>) semaphore(%arg12 : memref<!tpu.dma_semaphore, #tpu.memory_space<semaphore_mem>>)
      } else {
      }
      %mul3A_420 = arith.constant 2 : i32
      %mul3A_421 = arith.muli %scan3A_398, %mul3A_420 : i32
      %add3A_422 = arith.constant 1 : i32
      %add3A_423 = arith.addi %mul3A_421, %add3A_422 : i32
      %dma_wait3A_424 = arith.constant 1 : i32
      %dma_wait3A_425 = arith.constant 1 : i32
      %dma_wait3A_426 = arith.constant 0 : i32
      %dma_wait3A_427 = arith.constant 0 : i32
      %dma_wait3A_428 = tpu.memref_slice %arg9[%dma_wait3A_425, %dma_wait3A_426, %dma_wait3A_427] : memref<2x128x64xi32, #tpu.memory_space<vmem>> -> memref<1x128x64xi32, #tpu.memory_space<vmem>>
      %dma_wait3A_429 = tpu.memref_squeeze %dma_wait3A_428 : memref<1x128x64xi32, #tpu.memory_space<vmem>> -> memref<128x64xi32, #tpu.memory_space<vmem>>
      %dma_wait3A_430 = arith.constant 0 : i32
      %dma_wait3A_431 = tpu.memref_slice %arg7[%dma_wait3A_424, %dma_wait3A_430] : memref<2x128xi32, #tpu.memory_space<vmem>> -> memref<1x128xi32, #tpu.memory_space<vmem>>
      %dma_wait3A_432 = tpu.memref_squeeze %dma_wait3A_431 : memref<1x128xi32, #tpu.memory_space<vmem>> -> memref<128xi32, #tpu.memory_space<vmem>>
      %dma_wait3A_433 = arith.constant 0 : i32
      %dma_wait3A_434 = arith.constant 0 : i32
      %dma_wait3A_435 = tpu.memref_slice %arg2[%dma_wait3A_433, %dma_wait3A_434] : memref<10112x64xi32, #tpu.memory_space<hbm>> -> memref<10112x64xi32, #tpu.memory_space<hbm>>
      tpu.wait_indirect_dma semaphore(%arg13 : memref<!tpu.dma_semaphore, #tpu.memory_space<semaphore_mem>>) src(%dma_wait3A_435 : memref<10112x64xi32, #tpu.memory_space<hbm>>) dst(%dma_wait3A_429 : memref<128x64xi32, #tpu.memory_space<vmem>>)
      %parallel_loop3A_436 = arith.constant 0 : i32
      %parallel_loop3A_437 = arith.constant 128 : i32
      %parallel_loop3A_438 = arith.constant 1 : i32
      scf.for %parallel_loop3A_447 = %parallel_loop3A_436 to %parallel_loop3A_437 step %parallel_loop3A_438  : i32 {
        %parallel_loop3A_448 = arith.constant 1 : i32
        %parallel_loop3A_449 = arith.index_cast %parallel_loop3A_448 : i32 to index
        %parallel_loop3A_450 = arith.index_cast %parallel_loop3A_447 : i32 to index
        %parallel_loop3A_451 = arith.constant 0 : index
        %parallel_loop3A_452 = tpu.vector_load %arg9[%parallel_loop3A_449, %parallel_loop3A_450, %parallel_loop3A_451] {strides = array<i32>} : memref<2x128x64xi32, #tpu.memory_space<vmem>>, vector<1x1x16xi32>,
        %parallel_loop3A_453 = vector.shape_cast %parallel_loop3A_452 : vector<1x1x16xi32> to vector<16xi32>
        %parallel_loop3A_454 = arith.constant 16 : i32
        %parallel_loop3A_455 = vector.broadcast %parallel_loop3A_454 : i32 to vector<16xi32>
        %parallel_loop3A_456 = arith.shli %parallel_loop3A_453, %parallel_loop3A_455 : vector<16xi32>
        %parallel_loop3A_457 = tpu.bitcast %parallel_loop3A_456 : vector<16xi32> -> vector<16xf32>
        %parallel_loop3A_458 = arith.index_cast %parallel_loop3A_447 : i32 to index
        %parallel_loop3A_459 = arith.constant 0 : index
        %parallel_loop3A_460 = tpu.vector_load %arg10[%parallel_loop3A_458, %parallel_loop3A_459] {strides = array<i32>} : memref<128x128xf32, #tpu.memory_space<vmem>>, vector<1x16xf32>,
        %parallel_loop3A_461 = vector.shape_cast %parallel_loop3A_460 : vector<1x16xf32> to vector<16xf32>
        %parallel_loop3A_462 = vector.shape_cast %parallel_loop3A_457 : vector<16xf32> to vector<1x16xf32>
        tpu.vector_store %arg10[%parallel_loop3A_458, %parallel_loop3A_459], %parallel_loop3A_462 {strides = array<i32>} : memref<128x128xf32, #tpu.memory_space<vmem>>, vector<1x16xf32>,
        %parallel_loop3A_463 = arith.constant -65536 : i32
        %parallel_loop3A_464 = vector.broadcast %parallel_loop3A_463 : i32 to vector<16xi32>
        %parallel_loop3A_465 = arith.andi %parallel_loop3A_453, %parallel_loop3A_464 : vector<16xi32>
        %parallel_loop3A_466 = tpu.bitcast %parallel_loop3A_465 : vector<16xi32> -> vector<16xf32>
        %parallel_loop3A_467 = arith.index_cast %parallel_loop3A_447 : i32 to index
        %parallel_loop3A_468 = arith.constant 64 : index
        %parallel_loop3A_469 = tpu.vector_load %arg10[%parallel_loop3A_467, %parallel_loop3A_468] {strides = array<i32>} : memref<128x128xf32, #tpu.memory_space<vmem>>, vector<1x16xf32>,
        %parallel_loop3A_470 = vector.shape_cast %parallel_loop3A_469 : vector<1x16xf32> to vector<16xf32>
        %parallel_loop3A_471 = vector.shape_cast %parallel_loop3A_466 : vector<16xf32> to vector<1x16xf32>
        tpu.vector_store %arg10[%parallel_loop3A_467, %parallel_loop3A_468], %parallel_loop3A_471 {strides = array<i32>} : memref<128x128xf32, #tpu.memory_space<vmem>>, vector<1x16xf32>,
        %parallel_loop3A_472 = arith.constant 1 : i32
        %parallel_loop3A_473 = arith.index_cast %parallel_loop3A_472 : i32 to index
        %parallel_loop3A_474 = arith.index_cast %parallel_loop3A_447 : i32 to index
        %parallel_loop3A_475 = arith.constant 16 : index
        %parallel_loop3A_476 = tpu.vector_load %arg9[%parallel_loop3A_473, %parallel_loop3A_474, %parallel_loop3A_475] {strides = array<i32>} : memref<2x128x64xi32, #tpu.memory_space<vmem>>, vector<1x1x16xi32>,
        %parallel_loop3A_477 = vector.shape_cast %parallel_loop3A_476 : vector<1x1x16xi32> to vector<16xi32>
        %parallel_loop3A_478 = arith.constant 16 : i32
        %parallel_loop3A_479 = vector.broadcast %parallel_loop3A_478 : i32 to vector<16xi32>
        %parallel_loop3A_480 = arith.shli %parallel_loop3A_477, %parallel_loop3A_479 : vector<16xi32>
        %parallel_loop3A_481 = tpu.bitcast %parallel_loop3A_480 : vector<16xi32> -> vector<16xf32>
        %parallel_loop3A_482 = arith.index_cast %parallel_loop3A_447 : i32 to index
        %parallel_loop3A_483 = arith.constant 16 : index
        %parallel_loop3A_484 = tpu.vector_load %arg10[%parallel_loop3A_482, %parallel_loop3A_483] {strides = array<i32>} : memref<128x128xf32, #tpu.memory_space<vmem>>, vector<1x16xf32>,
        %parallel_loop3A_485 = vector.shape_cast %parallel_loop3A_484 : vector<1x16xf32> to vector<16xf32>
        %parallel_loop3A_486 = vector.shape_cast %parallel_loop3A_481 : vector<16xf32> to vector<1x16xf32>
        tpu.vector_store %arg10[%parallel_loop3A_482, %parallel_loop3A_483], %parallel_loop3A_486 {strides = array<i32>} : memref<128x128xf32, #tpu.memory_space<vmem>>, vector<1x16xf32>,
        %parallel_loop3A_487 = arith.constant -65536 : i32
        %parallel_loop3A_488 = vector.broadcast %parallel_loop3A_487 : i32 to vector<16xi32>
        %parallel_loop3A_489 = arith.andi %parallel_loop3A_477, %parallel_loop3A_488 : vector<16xi32>
        %parallel_loop3A_490 = tpu.bitcast %parallel_loop3A_489 : vector<16xi32> -> vector<16xf32>
        %parallel_loop3A_491 = arith.index_cast %parallel_loop3A_447 : i32 to index
        %parallel_loop3A_492 = arith.constant 80 : index
        %parallel_loop3A_493 = tpu.vector_load %arg10[%parallel_loop3A_491, %parallel_loop3A_492] {strides = array<i32>} : memref<128x128xf32, #tpu.memory_space<vmem>>, vector<1x16xf32>,
        %parallel_loop3A_494 = vector.shape_cast %parallel_loop3A_493 : vector<1x16xf32> to vector<16xf32>
        %parallel_loop3A_495 = vector.shape_cast %parallel_loop3A_490 : vector<16xf32> to vector<1x16xf32>
        tpu.vector_store %arg10[%parallel_loop3A_491, %parallel_loop3A_492], %parallel_loop3A_495 {strides = array<i32>} : memref<128x128xf32, #tpu.memory_space<vmem>>, vector<1x16xf32>,
        %parallel_loop3A_496 = arith.constant 1 : i32
        %parallel_loop3A_497 = arith.index_cast %parallel_loop3A_496 : i32 to index
        %parallel_loop3A_498 = arith.index_cast %parallel_loop3A_447 : i32 to index
        %parallel_loop3A_499 = arith.constant 32 : index
        %parallel_loop3A_500 = tpu.vector_load %arg9[%parallel_loop3A_497, %parallel_loop3A_498, %parallel_loop3A_499] {strides = array<i32>} : memref<2x128x64xi32, #tpu.memory_space<vmem>>, vector<1x1x16xi32>,
        %parallel_loop3A_501 = vector.shape_cast %parallel_loop3A_500 : vector<1x1x16xi32> to vector<16xi32>
        %parallel_loop3A_502 = arith.constant 16 : i32
        %parallel_loop3A_503 = vector.broadcast %parallel_loop3A_502 : i32 to vector<16xi32>
        %parallel_loop3A_504 = arith.shli %parallel_loop3A_501, %parallel_loop3A_503 : vector<16xi32>
        %parallel_loop3A_505 = tpu.bitcast %parallel_loop3A_504 : vector<16xi32> -> vector<16xf32>
        %parallel_loop3A_506 = arith.index_cast %parallel_loop3A_447 : i32 to index
        %parallel_loop3A_507 = arith.constant 32 : index
        %parallel_loop3A_508 = tpu.vector_load %arg10[%parallel_loop3A_506, %parallel_loop3A_507] {strides = array<i32>} : memref<128x128xf32, #tpu.memory_space<vmem>>, vector<1x16xf32>,
        %parallel_loop3A_509 = vector.shape_cast %parallel_loop3A_508 : vector<1x16xf32> to vector<16xf32>
        %parallel_loop3A_510 = vector.shape_cast %parallel_loop3A_505 : vector<16xf32> to vector<1x16xf32>
        tpu.vector_store %arg10[%parallel_loop3A_506, %parallel_loop3A_507], %parallel_loop3A_510 {strides = array<i32>} : memref<128x128xf32, #tpu.memory_space<vmem>>, vector<1x16xf32>,
        %parallel_loop3A_511 = arith.constant -65536 : i32
        %parallel_loop3A_512 = vector.broadcast %parallel_loop3A_511 : i32 to vector<16xi32>
        %parallel_loop3A_513 = arith.andi %parallel_loop3A_501, %parallel_loop3A_512 : vector<16xi32>
        %parallel_loop3A_514 = tpu.bitcast %parallel_loop3A_513 : vector<16xi32> -> vector<16xf32>
        %parallel_loop3A_515 = arith.index_cast %parallel_loop3A_447 : i32 to index
        %parallel_loop3A_516 = arith.constant 96 : index
        %parallel_loop3A_517 = tpu.vector_load %arg10[%parallel_loop3A_515, %parallel_loop3A_516] {strides = array<i32>} : memref<128x128xf32, #tpu.memory_space<vmem>>, vector<1x16xf32>,
        %parallel_loop3A_518 = vector.shape_cast %parallel_loop3A_517 : vector<1x16xf32> to vector<16xf32>
        %parallel_loop3A_519 = vector.shape_cast %parallel_loop3A_514 : vector<16xf32> to vector<1x16xf32>
        tpu.vector_store %arg10[%parallel_loop3A_515, %parallel_loop3A_516], %parallel_loop3A_519 {strides = array<i32>} : memref<128x128xf32, #tpu.memory_space<vmem>>, vector<1x16xf32>,
        %parallel_loop3A_520 = arith.constant 1 : i32
        %parallel_loop3A_521 = arith.index_cast %parallel_loop3A_520 : i32 to index
        %parallel_loop3A_522 = arith.index_cast %parallel_loop3A_447 : i32 to index
        %parallel_loop3A_523 = arith.constant 48 : index
        %parallel_loop3A_524 = tpu.vector_load %arg9[%parallel_loop3A_521, %parallel_loop3A_522, %parallel_loop3A_523] {strides = array<i32>} : memref<2x128x64xi32, #tpu.memory_space<vmem>>, vector<1x1x16xi32>,
        %parallel_loop3A_525 = vector.shape_cast %parallel_loop3A_524 : vector<1x1x16xi32> to vector<16xi32>
        %parallel_loop3A_526 = arith.constant 16 : i32
        %parallel_loop3A_527 = vector.broadcast %parallel_loop3A_526 : i32 to vector<16xi32>
        %parallel_loop3A_528 = arith.shli %parallel_loop3A_525, %parallel_loop3A_527 : vector<16xi32>
        %parallel_loop3A_529 = tpu.bitcast %parallel_loop3A_528 : vector<16xi32> -> vector<16xf32>
        %parallel_loop3A_530 = arith.index_cast %parallel_loop3A_447 : i32 to index
        %parallel_loop3A_531 = arith.constant 48 : index
        %parallel_loop3A_532 = tpu.vector_load %arg10[%parallel_loop3A_530, %parallel_loop3A_531] {strides = array<i32>} : memref<128x128xf32, #tpu.memory_space<vmem>>, vector<1x16xf32>,
        %parallel_loop3A_533 = vector.shape_cast %parallel_loop3A_532 : vector<1x16xf32> to vector<16xf32>
        %parallel_loop3A_534 = vector.shape_cast %parallel_loop3A_529 : vector<16xf32> to vector<1x16xf32>
        tpu.vector_store %arg10[%parallel_loop3A_530, %parallel_loop3A_531], %parallel_loop3A_534 {strides = array<i32>} : memref<128x128xf32, #tpu.memory_space<vmem>>, vector<1x16xf32>,
        %parallel_loop3A_535 = arith.constant -65536 : i32
        %parallel_loop3A_536 = vector.broadcast %parallel_loop3A_535 : i32 to vector<16xi32>
        %parallel_loop3A_537 = arith.andi %parallel_loop3A_525, %parallel_loop3A_536 : vector<16xi32>
        %parallel_loop3A_538 = tpu.bitcast %parallel_loop3A_537 : vector<16xi32> -> vector<16xf32>
        %parallel_loop3A_539 = arith.index_cast %parallel_loop3A_447 : i32 to index
        %parallel_loop3A_540 = arith.constant 112 : index
        %parallel_loop3A_541 = tpu.vector_load %arg10[%parallel_loop3A_539, %parallel_loop3A_540] {strides = array<i32>} : memref<128x128xf32, #tpu.memory_space<vmem>>, vector<1x16xf32>,
        %parallel_loop3A_542 = vector.shape_cast %parallel_loop3A_541 : vector<1x16xf32> to vector<16xf32>
        %parallel_loop3A_543 = vector.shape_cast %parallel_loop3A_538 : vector<16xf32> to vector<1x16xf32>
        tpu.vector_store %arg10[%parallel_loop3A_539, %parallel_loop3A_540], %parallel_loop3A_543 {strides = array<i32>} : memref<128x128xf32, #tpu.memory_space<vmem>>, vector<1x16xf32>,
      } {sc.loop_unroll_factor = 8 : i64, sc.parallel_access}
      %run_scoped3A_439 = arith.constant 1 : i32
      "tpu.region"() ({
        %run_scoped3A_447 = tpu.sem_alloc : memref<!tpu.dma_semaphore, #tpu.memory_space<semaphore_mem>>
        %dma_start3A_448 = arith.constant 0 : i32
        %dma_start3A_449 = tpu.memref_slice %arg8[%run_scoped3A_439, %dma_start3A_448] : memref<2x128xi32, #tpu.memory_space<vmem>> -> memref<1x128xi32, #tpu.memory_space<vmem>>
        %dma_start3A_450 = tpu.memref_squeeze %dma_start3A_449 : memref<1x128xi32, #tpu.memory_space<vmem>> -> memref<128xi32, #tpu.memory_space<vmem>>
        %dma_start3A_451 = arith.constant 0 : i32
        %dma_start3A_452 = arith.constant 0 : i32
        %dma_start3A_453 = tpu.memref_slice %arg11[%dma_start3A_451, %dma_start3A_452] : memref<10112x128xf32, #tpu.memory_space<vmem_shared>> -> memref<10112x128xf32, #tpu.memory_space<vmem_shared>>
        tpu.enqueue_indirect_dma source(%arg10 : memref<128x128xf32, #tpu.memory_space<vmem>>) target(%dma_start3A_453 : memref<10112x128xf32, #tpu.memory_space<vmem_shared>>) offsets(%dma_start3A_450 : memref<128xi32, #tpu.memory_space<vmem>>) semaphore(%run_scoped3A_447 : memref<!tpu.dma_semaphore, #tpu.memory_space<semaphore_mem>>) {add = true}
        %dma_wait3A_454 = arith.constant 0 : i32
        %dma_wait3A_455 = tpu.memref_slice %arg8[%run_scoped3A_439, %dma_wait3A_454] : memref<2x128xi32, #tpu.memory_space<vmem>> -> memref<1x128xi32, #tpu.memory_space<vmem>>
        %dma_wait3A_456 = tpu.memref_squeeze %dma_wait3A_455 : memref<1x128xi32, #tpu.memory_space<vmem>> -> memref<128xi32, #tpu.memory_space<vmem>>
        %dma_wait3A_457 = arith.constant 0 : i32
        %dma_wait3A_458 = arith.constant 0 : i32
        %dma_wait3A_459 = tpu.memref_slice %arg11[%dma_wait3A_457, %dma_wait3A_458] : memref<10112x128xf32, #tpu.memory_space<vmem_shared>> -> memref<10112x128xf32, #tpu.memory_space<vmem_shared>>
        tpu.wait_indirect_dma semaphore(%run_scoped3A_447 : memref<!tpu.dma_semaphore, #tpu.memory_space<semaphore_mem>>) src(%arg10 : memref<128x128xf32, #tpu.memory_space<vmem>>) dst(%dma_wait3A_459 : memref<10112x128xf32, #tpu.memory_space<vmem_shared>>)
        tpu.yield
      }) : () -> ()
      %add3A_440 = arith.constant 2 : i32
      %add3A_441 = arith.addi %add3A_423, %add3A_440 : i32
      %lt3A_442 = arith.constant 80 : i32
      %lt3A_443 = arith.cmpi slt, %add3A_441, %lt3A_442 : i32
      %convert_element_type3A_444 = arith.extui %lt3A_443 : i1 to i32
      %cond3A_445 = arith.constant 0 : i32
      %cond3A_446 = arith.cmpi ne, %convert_element_type3A_444, %cond3A_445 : i32
      scf.if %cond3A_446 {
        %add3A_447 = arith.constant 2 : i32
        %add3A_448 = arith.addi %add3A_423, %add3A_447 : i32
        %get3A_449 = arith.index_cast %add3A_448 : i32 to index
        %get3A_450 = arith.constant 0 : index
        %get3A_451 = tpu.vector_load %arg6[%get3A_449, %get3A_450] {strides = array<i32>} : memref<80x128xi32, #tpu.memory_space<vmem>>, vector<1x16xi32>,
        %get3A_452 = vector.shape_cast %get3A_451 : vector<1x16xi32> to vector<16xi32>
        %and3A_453 = arith.constant 65535 : i32
        %and3A_454 = vector.broadcast %and3A_453 : i32 to vector<16xi32>
        %and3A_455 = arith.andi %get3A_452, %and3A_454 : vector<16xi32>
        %swap3A_456 = arith.constant 1 : i32
        %swap3A_457 = arith.index_cast %swap3A_456 : i32 to index
        %swap3A_458 = arith.constant 0 : index
        %swap3A_459 = tpu.vector_load %arg7[%swap3A_457, %swap3A_458] {strides = array<i32>} : memref<2x128xi32, #tpu.memory_space<vmem>>, vector<1x16xi32>,
        %swap3A_460 = vector.shape_cast %swap3A_459 : vector<1x16xi32> to vector<16xi32>
        %swap3A_461 = vector.shape_cast %and3A_455 : vector<16xi32> to vector<1x16xi32>
        tpu.vector_store %arg7[%swap3A_457, %swap3A_458], %swap3A_461 {strides = array<i32>} : memref<2x128xi32, #tpu.memory_space<vmem>>, vector<1x16xi32>,
        %shift_right_logical3A_462 = arith.constant 16 : i32
        %shift_right_logical3A_463 = vector.broadcast %shift_right_logical3A_462 : i32 to vector<16xi32>
        %shift_right_logical3A_464 = arith.shrui %get3A_452, %shift_right_logical3A_463 : vector<16xi32>
        %swap3A_465 = arith.constant 1 : i32
        %swap3A_466 = arith.index_cast %swap3A_465 : i32 to index
        %swap3A_467 = arith.constant 0 : index
        %swap3A_468 = tpu.vector_load %arg8[%swap3A_466, %swap3A_467] {strides = array<i32>} : memref<2x128xi32, #tpu.memory_space<vmem>>, vector<1x16xi32>,
        %swap3A_469 = vector.shape_cast %swap3A_468 : vector<1x16xi32> to vector<16xi32>
        %swap3A_470 = vector.shape_cast %shift_right_logical3A_464 : vector<16xi32> to vector<1x16xi32>
        tpu.vector_store %arg8[%swap3A_466, %swap3A_467], %swap3A_470 {strides = array<i32>} : memref<2x128xi32, #tpu.memory_space<vmem>>, vector<1x16xi32>,
        %get3A_471 = arith.index_cast %add3A_448 : i32 to index
        %get3A_472 = arith.constant 16 : index
        %get3A_473 = tpu.vector_load %arg6[%get3A_471, %get3A_472] {strides = array<i32>} : memref<80x128xi32, #tpu.memory_space<vmem>>, vector<1x16xi32>,
        %get3A_474 = vector.shape_cast %get3A_473 : vector<1x16xi32> to vector<16xi32>
        %and3A_475 = arith.constant 65535 : i32
        %and3A_476 = vector.broadcast %and3A_475 : i32 to vector<16xi32>
        %and3A_477 = arith.andi %get3A_474, %and3A_476 : vector<16xi32>
        %swap3A_478 = arith.constant 1 : i32
        %swap3A_479 = arith.index_cast %swap3A_478 : i32 to index
        %swap3A_480 = arith.constant 16 : index
        %swap3A_481 = tpu.vector_load %arg7[%swap3A_479, %swap3A_480] {strides = array<i32>} : memref<2x128xi32, #tpu.memory_space<vmem>>, vector<1x16xi32>,
        %swap3A_482 = vector.shape_cast %swap3A_481 : vector<1x16xi32> to vector<16xi32>
        %swap3A_483 = vector.shape_cast %and3A_477 : vector<16xi32> to vector<1x16xi32>
        tpu.vector_store %arg7[%swap3A_479, %swap3A_480], %swap3A_483 {strides = array<i32>} : memref<2x128xi32, #tpu.memory_space<vmem>>, vector<1x16xi32>,
        %shift_right_logical3A_484 = arith.constant 16 : i32
        %shift_right_logical3A_485 = vector.broadcast %shift_right_logical3A_484 : i32 to vector<16xi32>
        %shift_right_logical3A_486 = arith.shrui %get3A_474, %shift_right_logical3A_485 : vector<16xi32>
        %swap3A_487 = arith.constant 1 : i32
        %swap3A_488 = arith.index_cast %swap3A_487 : i32 to index
        %swap3A_489 = arith.constant 16 : index
        %swap3A_490 = tpu.vector_load %arg8[%swap3A_488, %swap3A_489] {strides = array<i32>} : memref<2x128xi32, #tpu.memory_space<vmem>>, vector<1x16xi32>,
        %swap3A_491 = vector.shape_cast %swap3A_490 : vector<1x16xi32> to vector<16xi32>
        %swap3A_492 = vector.shape_cast %shift_right_logical3A_486 : vector<16xi32> to vector<1x16xi32>
        tpu.vector_store %arg8[%swap3A_488, %swap3A_489], %swap3A_492 {strides = array<i32>} : memref<2x128xi32, #tpu.memory_space<vmem>>, vector<1x16xi32>,
        %get3A_493 = arith.index_cast %add3A_448 : i32 to index
        %get3A_494 = arith.constant 32 : index
        %get3A_495 = tpu.vector_load %arg6[%get3A_493, %get3A_494] {strides = array<i32>} : memref<80x128xi32, #tpu.memory_space<vmem>>, vector<1x16xi32>,
        %get3A_496 = vector.shape_cast %get3A_495 : vector<1x16xi32> to vector<16xi32>
        %and3A_497 = arith.constant 65535 : i32
        %and3A_498 = vector.broadcast %and3A_497 : i32 to vector<16xi32>
        %and3A_499 = arith.andi %get3A_496, %and3A_498 : vector<16xi32>
        %swap3A_500 = arith.constant 1 : i32
        %swap3A_501 = arith.index_cast %swap3A_500 : i32 to index
        %swap3A_502 = arith.constant 32 : index
        %swap3A_503 = tpu.vector_load %arg7[%swap3A_501, %swap3A_502] {strides = array<i32>} : memref<2x128xi32, #tpu.memory_space<vmem>>, vector<1x16xi32>,
        %swap3A_504 = vector.shape_cast %swap3A_503 : vector<1x16xi32> to vector<16xi32>
        %swap3A_505 = vector.shape_cast %and3A_499 : vector<16xi32> to vector<1x16xi32>
        tpu.vector_store %arg7[%swap3A_501, %swap3A_502], %swap3A_505 {strides = array<i32>} : memref<2x128xi32, #tpu.memory_space<vmem>>, vector<1x16xi32>,
        %shift_right_logical3A_506 = arith.constant 16 : i32
        %shift_right_logical3A_507 = vector.broadcast %shift_right_logical3A_506 : i32 to vector<16xi32>
        %shift_right_logical3A_508 = arith.shrui %get3A_496, %shift_right_logical3A_507 : vector<16xi32>
        %swap3A_509 = arith.constant 1 : i32
        %swap3A_510 = arith.index_cast %swap3A_509 : i32 to index
        %swap3A_511 = arith.constant 32 : index
        %swap3A_512 = tpu.vector_load %arg8[%swap3A_510, %swap3A_511] {strides = array<i32>} : memref<2x128xi32, #tpu.memory_space<vmem>>, vector<1x16xi32>,
        %swap3A_513 = vector.shape_cast %swap3A_512 : vector<1x16xi32> to vector<16xi32>
        %swap3A_514 = vector.shape_cast %shift_right_logical3A_508 : vector<16xi32> to vector<1x16xi32>
        tpu.vector_store %arg8[%swap3A_510, %swap3A_511], %swap3A_514 {strides = array<i32>} : memref<2x128xi32, #tpu.memory_space<vmem>>, vector<1x16xi32>,
        %get3A_515 = arith.index_cast %add3A_448 : i32 to index
        %get3A_516 = arith.constant 48 : index
        %get3A_517 = tpu.vector_load %arg6[%get3A_515, %get3A_516] {strides = array<i32>} : memref<80x128xi32, #tpu.memory_space<vmem>>, vector<1x16xi32>,
        %get3A_518 = vector.shape_cast %get3A_517 : vector<1x16xi32> to vector<16xi32>
        %and3A_519 = arith.constant 65535 : i32
        %and3A_520 = vector.broadcast %and3A_519 : i32 to vector<16xi32>
        %and3A_521 = arith.andi %get3A_518, %and3A_520 : vector<16xi32>
        %swap3A_522 = arith.constant 1 : i32
        %swap3A_523 = arith.index_cast %swap3A_522 : i32 to index
        %swap3A_524 = arith.constant 48 : index
        %swap3A_525 = tpu.vector_load %arg7[%swap3A_523, %swap3A_524] {strides = array<i32>} : memref<2x128xi32, #tpu.memory_space<vmem>>, vector<1x16xi32>,
        %swap3A_526 = vector.shape_cast %swap3A_525 : vector<1x16xi32> to vector<16xi32>
        %swap3A_527 = vector.shape_cast %and3A_521 : vector<16xi32> to vector<1x16xi32>
        tpu.vector_store %arg7[%swap3A_523, %swap3A_524], %swap3A_527 {strides = array<i32>} : memref<2x128xi32, #tpu.memory_space<vmem>>, vector<1x16xi32>,
        %shift_right_logical3A_528 = arith.constant 16 : i32
        %shift_right_logical3A_529 = vector.broadcast %shift_right_logical3A_528 : i32 to vector<16xi32>
        %shift_right_logical3A_530 = arith.shrui %get3A_518, %shift_right_logical3A_529 : vector<16xi32>
        %swap3A_531 = arith.constant 1 : i32
        %swap3A_532 = arith.index_cast %swap3A_531 : i32 to index
        %swap3A_533 = arith.constant 48 : index
        %swap3A_534 = tpu.vector_load %arg8[%swap3A_532, %swap3A_533] {strides = array<i32>} : memref<2x128xi32, #tpu.memory_space<vmem>>, vector<1x16xi32>,
        %swap3A_535 = vector.shape_cast %swap3A_534 : vector<1x16xi32> to vector<16xi32>
        %swap3A_536 = vector.shape_cast %shift_right_logical3A_530 : vector<16xi32> to vector<1x16xi32>
        tpu.vector_store %arg8[%swap3A_532, %swap3A_533], %swap3A_536 {strides = array<i32>} : memref<2x128xi32, #tpu.memory_space<vmem>>, vector<1x16xi32>,
        %get3A_537 = arith.index_cast %add3A_448 : i32 to index
        %get3A_538 = arith.constant 64 : index
        %get3A_539 = tpu.vector_load %arg6[%get3A_537, %get3A_538] {strides = array<i32>} : memref<80x128xi32, #tpu.memory_space<vmem>>, vector<1x16xi32>,
        %get3A_540 = vector.shape_cast %get3A_539 : vector<1x16xi32> to vector<16xi32>
        %and3A_541 = arith.constant 65535 : i32
        %and3A_542 = vector.broadcast %and3A_541 : i32 to vector<16xi32>
        %and3A_543 = arith.andi %get3A_540, %and3A_542 : vector<16xi32>
        %swap3A_544 = arith.constant 1 : i32
        %swap3A_545 = arith.index_cast %swap3A_544 : i32 to index
        %swap3A_546 = arith.constant 64 : index
        %swap3A_547 = tpu.vector_load %arg7[%swap3A_545, %swap3A_546] {strides = array<i32>} : memref<2x128xi32, #tpu.memory_space<vmem>>, vector<1x16xi32>,
        %swap3A_548 = vector.shape_cast %swap3A_547 : vector<1x16xi32> to vector<16xi32>
        %swap3A_549 = vector.shape_cast %and3A_543 : vector<16xi32> to vector<1x16xi32>
        tpu.vector_store %arg7[%swap3A_545, %swap3A_546], %swap3A_549 {strides = array<i32>} : memref<2x128xi32, #tpu.memory_space<vmem>>, vector<1x16xi32>,
        %shift_right_logical3A_550 = arith.constant 16 : i32
        %shift_right_logical3A_551 = vector.broadcast %shift_right_logical3A_550 : i32 to vector<16xi32>
        %shift_right_logical3A_552 = arith.shrui %get3A_540, %shift_right_logical3A_551 : vector<16xi32>
        %swap3A_553 = arith.constant 1 : i32
        %swap3A_554 = arith.index_cast %swap3A_553 : i32 to index
        %swap3A_555 = arith.constant 64 : index
        %swap3A_556 = tpu.vector_load %arg8[%swap3A_554, %swap3A_555] {strides = array<i32>} : memref<2x128xi32, #tpu.memory_space<vmem>>, vector<1x16xi32>,
        %swap3A_557 = vector.shape_cast %swap3A_556 : vector<1x16xi32> to vector<16xi32>
        %swap3A_558 = vector.shape_cast %shift_right_logical3A_552 : vector<16xi32> to vector<1x16xi32>
        tpu.vector_store %arg8[%swap3A_554, %swap3A_555], %swap3A_558 {strides = array<i32>} : memref<2x128xi32, #tpu.memory_space<vmem>>, vector<1x16xi32>,
        %get3A_559 = arith.index_cast %add3A_448 : i32 to index
        %get3A_560 = arith.constant 80 : index
        %get3A_561 = tpu.vector_load %arg6[%get3A_559, %get3A_560] {strides = array<i32>} : memref<80x128xi32, #tpu.memory_space<vmem>>, vector<1x16xi32>,
        %get3A_562 = vector.shape_cast %get3A_561 : vector<1x16xi32> to vector<16xi32>
        %and3A_563 = arith.constant 65535 : i32
        %and3A_564 = vector.broadcast %and3A_563 : i32 to vector<16xi32>
        %and3A_565 = arith.andi %get3A_562, %and3A_564 : vector<16xi32>
        %swap3A_566 = arith.constant 1 : i32
        %swap3A_567 = arith.index_cast %swap3A_566 : i32 to index
        %swap3A_568 = arith.constant 80 : index
        %swap3A_569 = tpu.vector_load %arg7[%swap3A_567, %swap3A_568] {strides = array<i32>} : memref<2x128xi32, #tpu.memory_space<vmem>>, vector<1x16xi32>,
        %swap3A_570 = vector.shape_cast %swap3A_569 : vector<1x16xi32> to vector<16xi32>
        %swap3A_571 = vector.shape_cast %and3A_565 : vector<16xi32> to vector<1x16xi32>
        tpu.vector_store %arg7[%swap3A_567, %swap3A_568], %swap3A_571 {strides = array<i32>} : memref<2x128xi32, #tpu.memory_space<vmem>>, vector<1x16xi32>,
        %shift_right_logical3A_572 = arith.constant 16 : i32
        %shift_right_logical3A_573 = vector.broadcast %shift_right_logical3A_572 : i32 to vector<16xi32>
        %shift_right_logical3A_574 = arith.shrui %get3A_562, %shift_right_logical3A_573 : vector<16xi32>
        %swap3A_575 = arith.constant 1 : i32
        %swap3A_576 = arith.index_cast %swap3A_575 : i32 to index
        %swap3A_577 = arith.constant 80 : index
        %swap3A_578 = tpu.vector_load %arg8[%swap3A_576, %swap3A_577] {strides = array<i32>} : memref<2x128xi32, #tpu.memory_space<vmem>>, vector<1x16xi32>,
        %swap3A_579 = vector.shape_cast %swap3A_578 : vector<1x16xi32> to vector<16xi32>
        %swap3A_580 = vector.shape_cast %shift_right_logical3A_574 : vector<16xi32> to vector<1x16xi32>
        tpu.vector_store %arg8[%swap3A_576, %swap3A_577], %swap3A_580 {strides = array<i32>} : memref<2x128xi32, #tpu.memory_space<vmem>>, vector<1x16xi32>,
        %get3A_581 = arith.index_cast %add3A_448 : i32 to index
        %get3A_582 = arith.constant 96 : index
        %get3A_583 = tpu.vector_load %arg6[%get3A_581, %get3A_582] {strides = array<i32>} : memref<80x128xi32, #tpu.memory_space<vmem>>, vector<1x16xi32>,
        %get3A_584 = vector.shape_cast %get3A_583 : vector<1x16xi32> to vector<16xi32>
        %and3A_585 = arith.constant 65535 : i32
        %and3A_586 = vector.broadcast %and3A_585 : i32 to vector<16xi32>
        %and3A_587 = arith.andi %get3A_584, %and3A_586 : vector<16xi32>
        %swap3A_588 = arith.constant 1 : i32
        %swap3A_589 = arith.index_cast %swap3A_588 : i32 to index
        %swap3A_590 = arith.constant 96 : index
        %swap3A_591 = tpu.vector_load %arg7[%swap3A_589, %swap3A_590] {strides = array<i32>} : memref<2x128xi32, #tpu.memory_space<vmem>>, vector<1x16xi32>,
        %swap3A_592 = vector.shape_cast %swap3A_591 : vector<1x16xi32> to vector<16xi32>
        %swap3A_593 = vector.shape_cast %and3A_587 : vector<16xi32> to vector<1x16xi32>
        tpu.vector_store %arg7[%swap3A_589, %swap3A_590], %swap3A_593 {strides = array<i32>} : memref<2x128xi32, #tpu.memory_space<vmem>>, vector<1x16xi32>,
        %shift_right_logical3A_594 = arith.constant 16 : i32
        %shift_right_logical3A_595 = vector.broadcast %shift_right_logical3A_594 : i32 to vector<16xi32>
        %shift_right_logical3A_596 = arith.shrui %get3A_584, %shift_right_logical3A_595 : vector<16xi32>
        %swap3A_597 = arith.constant 1 : i32
        %swap3A_598 = arith.index_cast %swap3A_597 : i32 to index
        %swap3A_599 = arith.constant 96 : index
        %swap3A_600 = tpu.vector_load %arg8[%swap3A_598, %swap3A_599] {strides = array<i32>} : memref<2x128xi32, #tpu.memory_space<vmem>>, vector<1x16xi32>,
        %swap3A_601 = vector.shape_cast %swap3A_600 : vector<1x16xi32> to vector<16xi32>
        %swap3A_602 = vector.shape_cast %shift_right_logical3A_596 : vector<16xi32> to vector<1x16xi32>
        tpu.vector_store %arg8[%swap3A_598, %swap3A_599], %swap3A_602 {strides = array<i32>} : memref<2x128xi32, #tpu.memory_space<vmem>>, vector<1x16xi32>,
        %get3A_603 = arith.index_cast %add3A_448 : i32 to index
        %get3A_604 = arith.constant 112 : index
        %get3A_605 = tpu.vector_load %arg6[%get3A_603, %get3A_604] {strides = array<i32>} : memref<80x128xi32, #tpu.memory_space<vmem>>, vector<1x16xi32>,
        %get3A_606 = vector.shape_cast %get3A_605 : vector<1x16xi32> to vector<16xi32>
        %and3A_607 = arith.constant 65535 : i32
        %and3A_608 = vector.broadcast %and3A_607 : i32 to vector<16xi32>
        %and3A_609 = arith.andi %get3A_606, %and3A_608 : vector<16xi32>
        %swap3A_610 = arith.constant 1 : i32
        %swap3A_611 = arith.index_cast %swap3A_610 : i32 to index
        %swap3A_612 = arith.constant 112 : index
        %swap3A_613 = tpu.vector_load %arg7[%swap3A_611, %swap3A_612] {strides = array<i32>} : memref<2x128xi32, #tpu.memory_space<vmem>>, vector<1x16xi32>,
        %swap3A_614 = vector.shape_cast %swap3A_613 : vector<1x16xi32> to vector<16xi32>
        %swap3A_615 = vector.shape_cast %and3A_609 : vector<16xi32> to vector<1x16xi32>
        tpu.vector_store %arg7[%swap3A_611, %swap3A_612], %swap3A_615 {strides = array<i32>} : memref<2x128xi32, #tpu.memory_space<vmem>>, vector<1x16xi32>,
        %shift_right_logical3A_616 = arith.constant 16 : i32
        %shift_right_logical3A_617 = vector.broadcast %shift_right_logical3A_616 : i32 to vector<16xi32>
        %shift_right_logical3A_618 = arith.shrui %get3A_606, %shift_right_logical3A_617 : vector<16xi32>
        %swap3A_619 = arith.constant 1 : i32
        %swap3A_620 = arith.index_cast %swap3A_619 : i32 to index
        %swap3A_621 = arith.constant 112 : index
        %swap3A_622 = tpu.vector_load %arg8[%swap3A_620, %swap3A_621] {strides = array<i32>} : memref<2x128xi32, #tpu.memory_space<vmem>>, vector<1x16xi32>,
        %swap3A_623 = vector.shape_cast %swap3A_622 : vector<1x16xi32> to vector<16xi32>
        %swap3A_624 = vector.shape_cast %shift_right_logical3A_618 : vector<16xi32> to vector<1x16xi32>
        tpu.vector_store %arg8[%swap3A_620, %swap3A_621], %swap3A_624 {strides = array<i32>} : memref<2x128xi32, #tpu.memory_space<vmem>>, vector<1x16xi32>,
        %dma_start3A_625 = arith.constant 1 : i32
        %dma_start3A_626 = arith.constant 1 : i32
        %dma_start3A_627 = arith.constant 0 : i32
        %dma_start3A_628 = arith.constant 0 : i32
        %dma_start3A_629 = tpu.memref_slice %arg9[%dma_start3A_626, %dma_start3A_627, %dma_start3A_628] : memref<2x128x64xi32, #tpu.memory_space<vmem>> -> memref<1x128x64xi32, #tpu.memory_space<vmem>>
        %dma_start3A_630 = tpu.memref_squeeze %dma_start3A_629 : memref<1x128x64xi32, #tpu.memory_space<vmem>> -> memref<128x64xi32, #tpu.memory_space<vmem>>
        %dma_start3A_631 = arith.constant 0 : i32
        %dma_start3A_632 = tpu.memref_slice %arg7[%dma_start3A_625, %dma_start3A_631] : memref<2x128xi32, #tpu.memory_space<vmem>> -> memref<1x128xi32, #tpu.memory_space<vmem>>
        %dma_start3A_633 = tpu.memref_squeeze %dma_start3A_632 : memref<1x128xi32, #tpu.memory_space<vmem>> -> memref<128xi32, #tpu.memory_space<vmem>>
        %dma_start3A_634 = arith.constant 0 : i32
        %dma_start3A_635 = arith.constant 0 : i32
        %dma_start3A_636 = tpu.memref_slice %arg2[%dma_start3A_634, %dma_start3A_635] : memref<10112x64xi32, #tpu.memory_space<hbm>> -> memref<10112x64xi32, #tpu.memory_space<hbm>>
        tpu.enqueue_indirect_dma source(%dma_start3A_636 : memref<10112x64xi32, #tpu.memory_space<hbm>>) target(%dma_start3A_630 : memref<128x64xi32, #tpu.memory_space<vmem>>) offsets(%dma_start3A_633 : memref<128xi32, #tpu.memory_space<vmem>>) semaphore(%arg13 : memref<!tpu.dma_semaphore, #tpu.memory_space<semaphore_mem>>)
      } else {
      }
    }
    %scan3A_396 = arith.constant 40 : i32
    %barrier3A_397 = arith.constant 0 : index
    tpu.barrier barrier_id(%barrier3A_397)
    "tpu.region"() ({
      %run_scoped3A = tpu.sem_alloc : memref<!tpu.dma_semaphore, #tpu.memory_space<semaphore_mem>>
      %dma_start3A_398 = arith.constant 0 : i32
      %dma_start3A_399 = tpu.memref_slice %arg5[%arg0, %mul3A_2, %dma_start3A_398] : memref<2x10112x128xf32, #tpu.memory_space<hbm>> -> memref<1x632x128xf32, #tpu.memory_space<hbm>>
      %dma_start3A_400 = tpu.memref_squeeze %dma_start3A_399 : memref<1x632x128xf32, #tpu.memory_space<hbm>> -> memref<632x128xf32, #tpu.memory_space<hbm>>
      %dma_start3A_401 = arith.constant 0 : i32
      %dma_start3A_402 = tpu.memref_slice %arg11[%mul3A_2, %dma_start3A_401] : memref<10112x128xf32, #tpu.memory_space<vmem_shared>> -> memref<632x128xf32, #tpu.memory_space<vmem_shared>>
      tpu.enqueue_dma source(%dma_start3A_402 : memref<632x128xf32, #tpu.memory_space<vmem_shared>>) target(%dma_start3A_400 : memref<632x128xf32, #tpu.memory_space<hbm>>) target_semaphore(%run_scoped3A : memref<!tpu.dma_semaphore, #tpu.memory_space<semaphore_mem>>)
      %dma_wait3A = arith.constant 0 : i32
      %dma_wait3A_403 = tpu.memref_slice %arg5[%arg0, %mul3A_2, %dma_wait3A] : memref<2x10112x128xf32, #tpu.memory_space<hbm>> -> memref<1x632x128xf32, #tpu.memory_space<hbm>>
      %dma_wait3A_404 = tpu.memref_squeeze %dma_wait3A_403 : memref<1x632x128xf32, #tpu.memory_space<hbm>> -> memref<632x128xf32, #tpu.memory_space<hbm>>
      %dma_wait3A_405 = arith.constant 0 : i32
      %dma_wait3A_406 = tpu.memref_slice %arg11[%mul3A_2, %dma_wait3A_405] : memref<10112x128xf32, #tpu.memory_space<vmem_shared>> -> memref<632x128xf32, #tpu.memory_space<vmem_shared>>
      tpu.wait_dma2 semaphore(%run_scoped3A : memref<!tpu.dma_semaphore, #tpu.memory_space<semaphore_mem>>) src(%dma_wait3A_406 : memref<632x128xf32, #tpu.memory_space<vmem_shared>>) dst(%dma_wait3A_404 : memref<632x128xf32, #tpu.memory_space<hbm>>)
      tpu.yield
    }) : () -> ()
    return
  }
}

module attributes {stable_mosaic.version = 14 : i64} {
  func.func @_tc_linear_body(%arg0: memref<10112x128xf32, #tpu.memory_space<vmem>>, %arg1: memref<128x128xf32, #tpu.memory_space<vmem>>, %arg2: memref<1x128xf32, #tpu.memory_space<vmem>>, %arg3: memref<10112x64xi32, #tpu.memory_space<vmem>>) attributes {dimension_semantics = [], scalar_prefetch = 0 : i64, scratch_operands = 0 : i64, tpu.core_type = #tpu.core_type<tc>} {
    %get3A = arith.constant 0 : index
    %get3A_0 = arith.constant 0 : index
    %get3A_1 = vector.load %arg0[%get3A, %get3A_0] : memref<10112x128xf32, #tpu.memory_space<vmem>>, vector<10112x128xf32>
    %get3A_2 = arith.constant 0 : index
    %get3A_3 = arith.constant 0 : index
    %get3A_4 = vector.load %arg1[%get3A_2, %get3A_3] : memref<128x128xf32, #tpu.memory_space<vmem>>, vector<128x128xf32>
    %dot_general3A = arith.constant dense<0.000000e+00> : vector<10112x128xf32>
    %dot_general3A_5 = tpu.matmul %get3A_1, %get3A_4, %dot_general3A {dimension_numbers = #tpu.dot_dimension_numbers<[1], [1], [0], [0], [0, 0, 1, 0], [], []>, transpose_lhs_hint = false} : vector<10112x128xf32>, vector<128x128xf32>, vector<10112x128xf32> -> vector<10112x128xf32>
    %get3A_6 = arith.constant 0 : index
    %get3A_7 = arith.constant 0 : index
    %get3A_8 = vector.load %arg2[%get3A_6, %get3A_7] : memref<1x128xf32, #tpu.memory_space<vmem>>, vector<1x128xf32>
    %add3A = vector.broadcast %get3A_8 : vector<1x128xf32> to vector<10112x128xf32>
    %add3A_9 = arith.addf %dot_general3A_5, %add3A : vector<10112x128xf32>
    %convert_element_type3A = arith.truncf %add3A_9 : vector<10112x128xf32> to vector<10112x128xbf16>
    %slice3A = vector.extract_strided_slice %convert_element_type3A {offsets = [0, 0], sizes = [10112, 64], strides = [1, 1]} : vector<10112x128xbf16> to vector<10112x64xbf16>
    %bitcast_convert_type3A = tpu.bitcast %slice3A : vector<10112x64xbf16> -> vector<10112x64xi16>
    %convert_element_type3A_10 = arith.extui %bitcast_convert_type3A : vector<10112x64xi16> to vector<10112x64xi32>
    %slice3A_11 = vector.extract_strided_slice %convert_element_type3A {offsets = [0, 64], sizes = [10112, 64], strides = [1, 1]} : vector<10112x128xbf16> to vector<10112x64xbf16>
    %bitcast_convert_type3A_12 = tpu.bitcast %slice3A_11 : vector<10112x64xbf16> -> vector<10112x64xi16>
    %convert_element_type3A_13 = arith.extui %bitcast_convert_type3A_12 : vector<10112x64xi16> to vector<10112x64xi32>
    %shift_left3A = arith.constant 16 : i32
    %shift_left3A_14 = vector.broadcast %shift_left3A : i32 to vector<10112x64xi32>
    %shift_left3A_15 = arith.shli %convert_element_type3A_13, %shift_left3A_14 : vector<10112x64xi32>
    %or3A = arith.ori %convert_element_type3A_10, %shift_left3A_15 : vector<10112x64xi32>
    %swap3A = arith.constant 0 : index
    %swap3A_16 = arith.constant 0 : index
    %swap3A_17 = vector.load %arg3[%swap3A, %swap3A_16] : memref<10112x64xi32, #tpu.memory_space<vmem>>, vector<10112x64xi32>
    tpu.vector_store %arg3[%swap3A, %swap3A_16], %or3A {strides = array<i32>} : memref<10112x64xi32, #tpu.memory_space<vmem>>, vector<10112x64xi32>,
    return
  }
}

module attributes {stable_mosaic.version = 14 : i64} {
  func.func @_tc_finish_body(%arg0: memref<2x10112x128xf32, #tpu.memory_space<vmem>>, %arg1: memref<10000x1xi32, #tpu.memory_space<vmem>>, %arg2: memref<64x128xf32, #tpu.memory_space<vmem>>) attributes {dimension_semantics = [], scalar_prefetch = 0 : i64, scratch_operands = 0 : i64, tpu.core_type = #tpu.core_type<tc>} {
    %get3A = arith.constant 0 : index
    %get3A_0 = arith.constant 0 : index
    %get3A_1 = arith.constant 0 : index
    %get3A_2 = vector.load %arg0[%get3A, %get3A_0, %get3A_1] : memref<2x10112x128xf32, #tpu.memory_space<vmem>>, vector<1x10112x128xf32>
    %get3A_3 = vector.shape_cast %get3A_2 : vector<1x10112x128xf32> to vector<10112x128xf32>
    %get3A_4 = arith.constant 1 : index
    %get3A_5 = arith.constant 0 : index
    %get3A_6 = arith.constant 0 : index
    %get3A_7 = vector.load %arg0[%get3A_4, %get3A_5, %get3A_6] : memref<2x10112x128xf32, #tpu.memory_space<vmem>>, vector<1x10112x128xf32>
    %get3A_8 = vector.shape_cast %get3A_7 : vector<1x10112x128xf32> to vector<10112x128xf32>
    %add3A = arith.addf %get3A_3, %get3A_8 : vector<10112x128xf32>
    %slice3A = vector.extract_strided_slice %add3A {offsets = [0, 0], sizes = [10000, 128], strides = [1, 1]} : vector<10112x128xf32> to vector<10000x128xf32>
    %max3A = arith.constant 0.000000e+00 : f32
    %max3A_9 = vector.broadcast %max3A : f32 to vector<10000x128xf32>
    %max3A_10 = arith.maximumf %slice3A, %max3A_9 : vector<10000x128xf32>
    %iota3A = tpu.iota {dimensions = array<i32: 1>} : vector<10000x64xi32>
    %get3A_11 = arith.constant 0 : index
    %get3A_12 = arith.constant 0 : index
    %get3A_13 = vector.load %arg1[%get3A_11, %get3A_12] : memref<10000x1xi32, #tpu.memory_space<vmem>>, vector<10000x1xi32>
    %eq3A = vector.broadcast %get3A_13 : vector<10000x1xi32> to vector<10000x64xi32>
    %eq3A_14 = arith.cmpi eq, %eq3A, %iota3A : vector<10000x64xi32>
    %convert_element_type3A = arith.extui %eq3A_14 : vector<10000x64xi1> to vector<10000x64xi32>
    %convert_element_type3A_15 = arith.sitofp %convert_element_type3A : vector<10000x64xi32> to vector<10000x64xf32>
    %dot_general3A = arith.constant dense<0.000000e+00> : vector<64x128xf32>
    %dot_general3A_16 = tpu.matmul %convert_element_type3A_15, %max3A_10, %dot_general3A {dimension_numbers = #tpu.dot_dimension_numbers<[0], [0], [1], [1], [0, 1, 1, 1], [], []>, transpose_lhs_hint = false} : vector<10000x64xf32>, vector<10000x128xf32>, vector<64x128xf32> -> vector<64x128xf32>
    %broadcast_in_dim3A = arith.constant 1.000000e+00 : f32
    %broadcast_in_dim3A_17 = vector.broadcast %broadcast_in_dim3A : f32 to vector<10000x1xf32>
    %dot_general3A_18 = arith.constant dense<0.000000e+00> : vector<64x1xf32>
    %dot_general3A_19 = tpu.matmul %convert_element_type3A_15, %broadcast_in_dim3A_17, %dot_general3A_18 {dimension_numbers = #tpu.dot_dimension_numbers<[0], [0], [1], [1], [0, 1, 1, 1], [], []>, transpose_lhs_hint = false} : vector<10000x64xf32>, vector<10000x1xf32>, vector<64x1xf32> -> vector<64x1xf32>
    %max3A_20 = arith.constant 1.000000e+00 : f32
    %max3A_21 = vector.broadcast %max3A_20 : f32 to vector<64x1xf32>
    %max3A_22 = arith.maximumf %dot_general3A_19, %max3A_21 : vector<64x1xf32>
    %div3A = vector.broadcast %max3A_22 : vector<64x1xf32> to vector<64x128xf32>
    %div3A_23 = arith.divf %dot_general3A_16, %div3A : vector<64x128xf32>
    %swap3A = arith.constant 0 : index
    %swap3A_24 = arith.constant 0 : index
    %swap3A_25 = vector.load %arg2[%swap3A, %swap3A_24] : memref<64x128xf32, #tpu.memory_space<vmem>>, vector<64x128xf32>
    tpu.vector_store %arg2[%swap3A, %swap3A_24], %div3A_23 {strides = array<i32>} : memref<64x128xf32, #tpu.memory_space<vmem>>, vector<64x128xf32>,
    return
  }
}

</mosaic_0001>

<sc_bundles>
// kernel: kernel.5.cloned.1.call-start
scs
__scs_entry_jumppad:
0x0: {  	(pc) =	sbr.rel $0x88, $3  }
0x1: {  	(tag) =	ssettag $0x0;
	lr =	simm.s32 $0x1  }
0x2: {  	[smem:$0x3F9C] =	sst lr;
	_ =	strace $0xD0000000  }
0x3: {  	_ = 	snop  }
0x4: {  	_ = 	snop  }
0x5: {  	_ = 	snop  }
0x6: {  	_ = 	snop  }
0x7: {  	_ = 	snop  }
__scs_overlays_trampoline_lowered:
0x8: {  	[smem:$0x3FAB] =	sst s0  }
0x9: {  	[smem:$0x3FAC] =	sst s1  }
0xa: {  	[smem:$0x3FAD] =	sst s2  }
0xb: {  	[smem:$0x3FAE] =	sst s3  }
0xc: {  	[smem:$0x3FAF] =	sst s4  }
0xd: {  	[smem:$0x3FB0] =	sst s5  }
0xe: {  	[smem:$0x3FB1] =	sst s6  }
0xf: {  	[smem:$0x3FB2] =	sst s7  }
0x10: {  	[smem:$0x3FB3] =	sst s8  }
0x11: {  	[smem:$0x3FB4] =	sst s9;
	s0 =	simm.s32 @!p0 $0x0  }
0x12: {  	s1 =	sld [smem:$0x3F9A];
	s0 =	simm.s32 @p0 $0x1  }
0x13: {  	[smem:$0x3FB5] =	sst s0;
	s0 =	simm.s32 @!p1 $0x0  }
0x14: {  	s2 =	sld [smem:$0x3F99];
	s0 =	simm.s32 @p1 $0x1  }
0x15: {  	[smem:$0x3FB6] =	sst s0;
	s0 =	simm.s32 @!p2 $0x0  }
0x16: {  	s3 =	sld [smem:$0x3FDB];
	s0 =	simm.s32 @p2 $0x1  }
0x17: {  	s4 =	simm.s32 $0x1BF5;
	[smem:$0x3FB8] =	sst s0  }
0x18: {  	s0 =	sld [smem:$0x3F9B];
	_ =	swait.ge [sflag:s4], $0x0  }
0x19: {  	s7 =	sld [smem:$0x3F9C]  }
0x1a: {  	s8 =	sadd.s32 $0xFFFFE003, lr  }
0x1b: {  	s9 =	sadd.s32 $0xFFFFFEF7, lr;
	s5 =	simm.s32 $0xFFFFFFFF;
	p2 =	slt.u32 s8, $0xFFFFF086  }
0x1c: {  	p1 =	slt.u32 s9, $0xF7A;
	s5 =	simm.s32 @!p2 $0x0  }
0x1d: {  	s5 =	simm.s32 @p1 $0x1;
	p0 =	seq.s32 s7, s2  }
0x1e: {  	s7 =	smul.u32 @!p0 $0xF7A, s2;
	p2 =	seq.s32 @!p0 s5, $0x0  }
0x1f: {  	s9 =	smul.u32 $0xF7A, s1;
	s8 =	simm.s32 @!p0 $0x1BF5;
	p2 =	por !p2, p0  }
0x20: {  	[sflag:s8] =	ssyncset.s32 @!p0 $0xFFFFF086;
	s6 =	sadd.s32 @!p0 s3, s7;
	s7 =	simm.s32 @!p0 $0x108  }
0x21: {  	s3 =	sadd.s32 s3, s9;
	s6 =	sadd.s32 @!p0 $0x88, s6;
	s7 =	simm.s32 @p2 $0x1082  }
0x22: {  	[simem:s7], [sflag:s8] =	dma.local @!p0 [hbm:s6], $0xF7A  }
0x23: {  	s9 =	sor.u32 $0xD0000000, s2;
	s6 =	simm.s32 $0x108;
	_ =	swait.ge @!p0 [sflag:s8], $0x0  }
0x24: {  	s3 =	sadd.s32 $0x88, s3;
	s6 =	simm.s32 @!p1 $0x1082;
	[sflag:s4] =	ssyncset.s32 $0xFFFFF086  }
0x25: {  	[simem:s6], [sflag:s4] =	dma.local [hbm:s3], $0xF7A  }
0x26: {  	[smem:$0x3F9C] =	sst s1;
	(tag) =	ssettag s2;
	_ =	strace s9  }
0x27: {  	s1 =	sld [smem:$0x3FAC]  }
0x28: {  	s2 =	sld [smem:$0x3FAD]  }
0x29: {  	s4 =	sld [smem:$0x3FAF]  }
0x2a: {  	p0 =	seq.s32 s5, $0x0;
	s5 =	sld [smem:$0x3FB0]  }
0x2b: {  	s6 =	sld [smem:$0x3FB1]  }
0x2c: {  	s7 =	sld [smem:$0x3FB2]  }
0x2d: {  	s3 =	simm.s32 $0x108;
	s8 =	sld [smem:$0x3FB3]  }
0x2e: {  	s3 =	simm.s32 @!p0 $0x1082;
	s9 =	sld [smem:$0x3FB4]  }
0x2f: {  	lr =	sadd.s32 s0, s3;
	s0 =	sld [smem:$0x3FAB]  }
0x30: {  	s3 =	sld [smem:$0x3FAE]  }
0x31: {  	[smem:$0x3FB7] =	sst s10  }
0x32: {  	s10 =	sld [smem:$0x3FB5];
	_ =	sdelay $0x3  }
0x33: {  	p0 =	seq.s32 s10, $0x1;
	s10 =	sld [smem:$0x3FB7];
	_ =	sdelay $0x3  }
0x34: {  	[smem:$0x3FB7] =	sst s10  }
0x35: {  	s10 =	sld [smem:$0x3FB6];
	_ =	sdelay $0x3  }
0x36: {  	p1 =	seq.s32 s10, $0x1;
	s10 =	sld [smem:$0x3FB7];
	_ =	sdelay $0x3  }
0x37: {  	[smem:$0x3FB7] =	sst s10  }
0x38: {  	s10 =	sld [smem:$0x3FB8]  }
0x39: {  	_ = 	snop;
	(pc) =	sbr.ind lr, $3  }
0x3a: {  	_ = 	snop  }
0x3b: {  	_ = 	snop  }
0x3c: {  	p2 =	seq.s32 s10, $0x1;
	s10 =	sld [smem:$0x3FB7]  }
0x3d: {  	_ =	shalt  }
0x3e: {  	_ =	shalt  }
0x3f: {  	_ =	shalt  }
0x40: {  	_ =	shalt  }
0x41: {  	_ =	shalt  }
0x42: {  	_ =	shalt  }
0x43: {  	_ =	shalt  }
0x44: {  	_ =	shalt  }
0x45: {  	_ =	shalt  }
0x46: {  	_ =	shalt  }
0x47: {  	_ =	shalt  }
0x48: {  	_ =	shalt  }
0x49: {  	_ =	shalt  }
0x4a: {  	_ =	shalt  }
0x4b: {  	_ =	shalt  }
0x4c: {  	_ =	shalt  }
0x4d: {  	_ =	shalt  }
0x4e: {  	_ =	shalt  }
0x4f: {  	_ =	shalt  }
0x50: {  	_ =	shalt  }
0x51: {  	_ =	shalt  }
0x52: {  	_ =	shalt  }
0x53: {  	_ =	shalt  }
0x54: {  	_ =	shalt  }
0x55: {  	_ =	shalt  }
0x56: {  	_ =	shalt  }
0x57: {  	_ =	shalt  }
0x58: {  	_ =	shalt  }
0x59: {  	_ =	shalt  }
0x5a: {  	_ =	shalt  }
0x5b: {  	_ =	shalt  }
0x5c: {  	_ =	shalt  }
0x5d: {  	_ =	shalt  }
0x5e: {  	_ =	shalt  }
0x5f: {  	_ =	shalt  }
0x60: {  	_ =	shalt  }
0x61: {  	_ =	shalt  }
0x62: {  	_ =	shalt  }
0x63: {  	_ =	shalt  }
0x64: {  	_ =	shalt  }
0x65: {  	_ =	shalt  }
0x66: {  	_ =	shalt  }
0x67: {  	_ =	shalt  }
0x68: {  	_ =	shalt  }
0x69: {  	_ =	shalt  }
0x6a: {  	_ =	shalt  }
0x6b: {  	_ =	shalt  }
0x6c: {  	_ =	shalt  }
0x6d: {  	_ =	shalt  }
0x6e: {  	_ =	shalt  }
0x6f: {  	_ =	shalt  }
0x70: {  	_ =	shalt  }
0x71: {  	_ =	shalt  }
0x72: {  	_ =	shalt  }
0x73: {  	_ =	shalt  }
0x74: {  	_ =	shalt  }
0x75: {  	_ =	shalt  }
0x76: {  	_ =	shalt  }
0x77: {  	_ =	shalt  }
0x78: {  	_ =	shalt  }
0x79: {  	_ =	shalt  }
0x7a: {  	_ =	shalt  }
0x7b: {  	_ =	shalt  }
0x7c: {  	_ =	shalt  }
0x7d: {  	_ =	shalt  }
0x7e: {  	_ =	shalt  }
0x7f: {  	_ =	shalt  }
0x80: {  	_ =	shalt  }
0x81: {  	_ =	shalt  }
0x82: {  	_ =	shalt  }
0x83: {  	_ =	shalt  }
0x84: {  	_ =	shalt  }
0x85: {  	_ =	shalt  }
0x86: {  	_ =	shalt  }
0x87: {  	_ =	shalt  }
.Lfunc_end0:
.L_simem_size_0:
called_computation_lowered:
.L_overlay_start_0:
0x88: {  	s2 =	sld [smem:$0x3FD9]  }
0x89: {  	s3 =	sld [smem:$0x3FFE];
	_ =	sdelay $0x1  }
0x8a: {  	s1 =	srdreg.scid  }
0x8b: {  	s0 =	sand.u32 $0x1, s1  }
0x8c: {  	s16 =	sshll.u32 s0, $0xA;
	s2 =	sadd.s32 s3, s2  }
0x8d: {  	s2 =	sadd.s32 s2, s16  }
0x8e: {  	[smem:$0x3FC3] =	sst s2  }
0x8f: {  	_ = 	snop  }
0x90: {  	(tm) =	ssettm $0x1  }
0x91: {  	s17 =	sld [smem:$0x3FFB];
	_ =	sdelay $0x3  }
0x92: {  	_ =	strace s17  }
0x93: {  	s2 =	sld [smem:$0x3FFC];
	_ =	sdelay $0x3  }
0x94: {  	_ =	strace s2  }
0x95: {  	s2 =	sld [smem:$0x3FFD];
	_ =	sdelay $0x3  }
0x96: {  	_ =	strace s2  }
0x97: {  	_ =	strace $0x8FFFFFFF  }
0x98: {  	s18 =	sld [smem:$0x3FDB];
	_ =	sdelay $0x1  }
0x99: {  	s19 =	simm.s32 $_scs_section_size  }
0x9a: {  	s4 =	simm.s32 $_size__tile_overlayer_lowered;
	s5 =	simm.s32 $_tile_overlayer_lowered  }
0x9b: {  	s22 =	simm.s32 $0x1BFF;
	s21 =	sshll.u32 s5, $0x1;
	s2 =	sadd.s32 s19, s18  }
0x9c: {  	s6 =	simm.s32 $0x0;
	s20 =	sshll.u32 s4, $0x1;
	s4 =	sadd.s32 s21, s2  }
0x9d: {  	[timem:s6], [sflag:s22] =	dma.local [hbm:s4], s20  }
0x9e: {  	_ =	swait.ge [sflag:s22], s20  }
0x9f: {  	s3 =	ssub.s32 $0x0, s20;
	[sflag:s22] =	ssyncset.done $0x0  }
0xa0: {  	[sflag:s22] =	ssyncadd.s32 s3;
	_ =	sdelay $0x1  }
0xa1: {  	s23 =	simm.s32 $0x1B8B  }
0xa2: {  	_ =	swait.ge [sflag:s23], $0x1  }
0xa3: {  	[sflag:s23] =	ssyncset.done $0x0  }
0xa4: {  	s25 =	simm.s32 $0x1B8E;
	s24 =	sld [smem:$0x3FFE];
	[sflag:s23] =	ssyncadd.s32 $0xFFFFFFFF  }
0xa5: {  	s26 =	simm.s32 $execute0_lowered;
	[smem:$0x3FD2] =	sst s25  }
0xa6: {  	s4 =	sshll.u32 s26, $0x1;
	_ =	strace $0x80000046;
	[dreg:$0x1] =	wrdreg $0xFFFFFFFF  }
0xa7: {  	s28 =	simm.s32 $_size_execute0_lowered;
	s2 =	sadd.s32 s2, s4;
	[dreg:$0x0] =	wrdreg $0x0  }
0xa8: {  	s4 =	sshll.u32 s28, $0x1;
	[dreg:$0x2] =	wrdreg s2  }
0xa9: {  	[dreg:$0x3] =	wrdreg s4  }
0xaa: {  	[dreg:$0x4] =	wrdreg $0xC0  }
0xab: {  	_ =	task [dreg:s6], $0x5FFFF  }
0xac: {  	[dreg:$0x1] =	wrdreg $0xFFFFFFFF  }
0xad: {  	[dreg:$0x0] =	wrdreg $0x60  }
0xae: {  	[dreg:$0x2] =	wrdreg s24  }
0xaf: {  	[dreg:$0x3] =	wrdreg $0xAA000  }
0xb0: {  	[dreg:$0x4] =	wrdreg $0x9  }
0xb1: {  	_ =	task.clear_ibuf [dreg:s6], $0x5FFFF;
	_ =	strace $0x90000046  }
0xb2: {  	s29 =	simm.s32 $0x9;
	_ =	strace $0x80000048  }
0xb3: {  	_ =	swait.ge [sflag:s29], $0x1  }
0xb4: {  	[sflag:s29] =	ssyncadd.s32 $0xFFFFFFFF  }
0xb5: {  	_ =	strace $0x90000048  }
0xb6: {  	_ =	sfence  }
0xb7: {  	s30 =	sld [smem:$0x0];
	_ =	sdelay $0x2  }
0xb8: {  	s31 =	sshll.u32 s1, $0xD;
	s1 =	sshrl.u32 s1, $0x2  }
0xb9: {  	s3 =	sand.u32 $0x4000, s31;
	s1 =	sadd.s32 s1, s30  }
0xba: {  	s0 =	sor.u32 s3, s0;
	s1 =	sshll.u32 s1, $0x11  }
0xbb: {  	s0 =	sor.u32 s1, s0  }
0xbc: {  	s0 =	sadd.s32 $0x8F2B, s0  }
0xbd: {  	[sflag:s0] =	ssyncadd.remote.s32 $0x1  }
0xbe: {  	_ =	sfence.sel $0xFFFF  }
0xbf: {  	[dreg:$0x0] =	wrdreg $0xFFFFFFFF;
	(pc) =	sbr.abs _section_cstart, $3  }
0xc0: {  	[dreg:$0x1] =	wrdreg $0xFFFFFFFF  }
0xc1: {  	_ =	task.clear_ibuf [dreg:s6], $0x2FFFF;
	_ =	strace $0x9FFFFFFF  }
0xc2: {  	(tm) =	ssettm $0x7FFFFFFF  }
0xc3: {  	_ =	shalt  }
tec
execute0_lowered:
.L_overlay_start_1:
0x0: {  	(tag) =	ssettag $0x1  }
0x1: {  	s1 =	srdreg.scid;
	s6 =	rddreg [dreg:$0x0]  }
0x2: {  	s0 =	stileid.u32;
	s2 =	rddreg [dreg:$0x1]  }
0x3: {  	s3 =	simm.s32 $0x0;
	s12 =	simm.s32 $0x2A00;
	s13 =	simm.s32 $0x2880  }
0x4: {  	s14 =	simm.s32 $0x4A00;
	s17 =	simm.s32 $0x1;
	s18 =	simm.s32 $0x2900  }
0x5: {  	s19 =	simm.s32 $0x6A00;
	s20 =	simm.s32 $0x2;
	s21 =	simm.s32 $0x2980  }
0x6: {  	s22 =	simm.s32 $0x0;
	s5 =	sand.u32 $0x1, s1;
	s31 =	sshll.u32 s0, $0x1  }
0x7: {  	s8 =	smul.u32 $0x13C00, s0;
	[smem:$0x7FF] =	sst s3;
	s4 =	sadd.s32 $0xA00, s6  }
0x8: {  	s15 =	sshll.u32 s0, $0x6;
	s1 =	sor.u32 s5, s31;
	s9 =	smul.u32 $0x13C000, s5  }
0x9: {  	s10 =	ssub.s32 $0x2, s5;
	s5 =	sadd.s32 $0x1E600, s6;
	s15 =	sor.u32 $0x1C03, s15  }
0xa: {  	s7 =	smul.u32 $0x500, s1;
	s1 =	rddreg [dreg:$0x2];
	_ =	strace $0x80000047  }
.Ltmp0:
0xb: {  	s11 =	sshrl.u32 s10, $0x1;
	s16 =	sadd.s32 s8, s2;
	(pc) =	sbr.rel .LBB2_1-.Ltmp0, $4  }
0xc: {  	s9 =	sadd.s32 s8, s9;
	s10 =	ssub.s32 s10, s11;
	s11 =	simm.s32 $0x2800  }
0xd: {  	s16 =	sshrl.u32 s16, $0x3;
	s7 =	sadd.s32 s7, s6;
	s9 =	sshrl.u32 s9, $0x3  }
0xe: {  	s8 =	smax.u32 s10, $0x1;
	s10 =	simm.s32 $0x80;
	s9 =	sadd.s32 s9, s6  }
0xf: {  	s6 =	sadd.s32 $0x14600, s7;
	s7 =	sadd.s32 $0x20E00, s9;
	s9 =	simm.s32 $0x3  }
.LBB2_8:
0x10: {  	s22 =	sadd.s32 $0x1, s22  }
0x11: {  	p0 =	sne.s32 s22, s8  }
.Ltmp1:
0x12: {  	[bflag:$0x0] =	sbarrier.arrive $0xFFFF;
	(pc) =	sbr.rel @!p0 .LBB2_9-.Ltmp1, $4  }
0x13: {  	[hbm:s7], [sflag:s15] =	dma.local [spmem:s16], $0x2780  }
0x14: {  	_ =	swait.ge [sflag:s9], $0x2780  }
0x15: {  	[sflag:s9] =	ssyncset.done $0x0  }
0x16: {  	[sflag:s9] =	ssyncadd.s32 $0xFFFFD880  }
.LBB2_1:
0x17: {  	[tilespmem:s3], [sflag:$0x3] =	stream.linear.gather [hbm4b:s6+s3], $0x2800, $0x38;
	[tilespmem:$0x1E600] =	vst v63  }
0x18: {  	_ =	swait.ge [sflag:s9], $0x2800  }
0x19: {  	[sflag:s9] =	ssyncset.done $0x0  }
0x1a: {  	[sflag:s9] =	ssyncadd.s32 $0xFFFFD800  }
0x1b: {  	v0 =	vld [tilespmem:$0x0];
	_ =	sdelay $0x1  }
0x1c: {  	v1 =	vld [tilespmem:$0x10];
	_ =	sdelay $0x1  }
0x1d: {  	v2 =	vld [tilespmem:$0x20]  }
0x1e: {  	v3 =	vand.u32 $0xFFFF, v0  }
0x1f: {  	v22 =	vld [tilespmem:$0x30];
	v0 =	vshrl.u32 v0, $0x10;
	[tilespmem:$0x2800] =	vst v3  }
0x20: {  	v23 =	vand.u32 $0xFFFF, v1;
	[tilespmem:$0x2900] =	vst v0  }
0x21: {  	v25 =	vld [tilespmem:$0x40];
	v24 =	vshrl.u32 v1, $0x10;
	[tilespmem:$0x2810] =	vst v23  }
0x22: {  	v26 =	vand.u32 $0xFFFF, v2;
	[tilespmem:$0x2910] =	vst v24  }
0x23: {  	v28 =	vld [tilespmem:$0x50];
	v27 =	vshrl.u32 v2, $0x10;
	[tilespmem:$0x2820] =	vst v26  }
0x24: {  	v29 =	vand.u32 $0xFFFF, v22;
	[tilespmem:$0x2920] =	vst v27  }
0x25: {  	v31 =	vld [tilespmem:$0x60];
	v30 =	vshrl.u32 v22, $0x10;
	[tilespmem:$0x2830] =	vst v29  }
0x26: {  	v32 =	vand.u32 $0xFFFF, v25;
	[tilespmem:$0x2930] =	vst v30  }
0x27: {  	v34 =	vld [tilespmem:$0x70];
	v33 =	vshrl.u32 v25, $0x10;
	[tilespmem:$0x2840] =	vst v32  }
0x28: {  	v35 =	vand.u32 $0xFFFF, v28;
	[tilespmem:$0x2940] =	vst v33  }
0x29: {  	v36 =	vshrl.u32 v28, $0x10;
	[tilespmem:$0x2850] =	vst v35  }
0x2a: {  	v37 =	vand.u32 $0xFFFF, v31;
	[tilespmem:$0x2950] =	vst v36  }
0x2b: {  	v38 =	vshrl.u32 v31, $0x10;
	[tilespmem:$0x2860] =	vst v37  }
0x2c: {  	v39 =	vand.u32 $0xFFFF, v34;
	[tilespmem:$0x2960] =	vst v38  }
0x2d: {  	v40 =	vshrl.u32 v34, $0x10;
	[tilespmem:$0x2870] =	vst v39  }
0x2e: {  	[tilespmem:$0x2970] =	vst v40  }
0x2f: {  	[tilespmem:s12], [sflag:$0x1] =	stream.indirect.gather [hbm4b:s4+s10], $0x40, s11, s10, $0xb8;
	[tilespmem:$0x1E600] =	vst v63  }
0x30: {  	v41 =	vld [tilespmem:$0x80];
	_ =	sdelay $0x1  }
0x31: {  	v42 =	vld [tilespmem:$0x90];
	_ =	sdelay $0x1  }
0x32: {  	v43 =	vld [tilespmem:$0xA0]  }
0x33: {  	v44 =	vand.u32 $0xFFFF, v41  }
0x34: {  	v45 =	vld [tilespmem:$0xB0];
	v0 =	vshrl.u32 v41, $0x10;
	[tilespmem:$0x2880] =	vst v44  }
0x35: {  	v46 =	vand.u32 $0xFFFF, v42;
	[tilespmem:$0x2980] =	vst v0  }
0x36: {  	v48 =	vld [tilespmem:$0xC0];
	v47 =	vshrl.u32 v42, $0x10;
	[tilespmem:$0x2890] =	vst v46  }
0x37: {  	v49 =	vand.u32 $0xFFFF, v43;
	[tilespmem:$0x2990] =	vst v47  }
0x38: {  	v51 =	vld [tilespmem:$0xD0];
	v50 =	vshrl.u32 v43, $0x10;
	[tilespmem:$0x28A0] =	vst v49  }
0x39: {  	v52 =	vand.u32 $0xFFFF, v45;
	[tilespmem:$0x29A0] =	vst v50  }
0x3a: {  	v54 =	vld [tilespmem:$0xE0];
	v53 =	vshrl.u32 v45, $0x10;
	[tilespmem:$0x28B0] =	vst v52  }
0x3b: {  	v55 =	vand.u32 $0xFFFF, v48;
	[tilespmem:$0x29B0] =	vst v53  }
0x3c: {  	v57 =	vld [tilespmem:$0xF0];
	v56 =	vshrl.u32 v48, $0x10;
	[tilespmem:$0x28C0] =	vst v55  }
0x3d: {  	v58 =	vand.u32 $0xFFFF, v51;
	[tilespmem:$0x29C0] =	vst v56  }
0x3e: {  	v59 =	vshrl.u32 v51, $0x10;
	[tilespmem:$0x28D0] =	vst v58  }
0x3f: {  	v60 =	vand.u32 $0xFFFF, v54;
	[tilespmem:$0x29D0] =	vst v59  }
0x40: {  	v61 =	vshrl.u32 v54, $0x10;
	[tilespmem:$0x28E0] =	vst v60  }
0x41: {  	v62 =	vand.u32 $0xFFFF, v57;
	[tilespmem:$0x29E0] =	vst v61  }
0x42: {  	v63 =	vshrl.u32 v57, $0x10;
	[tilespmem:$0x28F0] =	vst v62  }
0x43: {  	[tilespmem:$0x29F0] =	vst v63  }
0x44: {  	[tilespmem:s14], [sflag:$0x2] =	stream.indirect.gather [hbm4b:s4+s10], $0x40, s13, s10, $0xb8;
	[tilespmem:$0x1E600] =	vst v63  }
0x45: {  	[spmem:s16], [sflag:s15] =	dma.local [hbm:s5], $0x2780  }
0x46: {  	_ =	swait.ge [sflag:s9], $0x2780  }
0x47: {  	[sflag:s9] =	ssyncset.done $0x0  }
0x48: {  	[sflag:s9] =	ssyncadd.s32 $0xFFFFD880  }
0x49: {  	s23 =	simm.s32 $0x0;
	[bflag:$0x0] =	sbarrier.arrive $0xFFFF  }
.LBB2_2:
0x4a: {  	_ =	swait.ge [sflag:s17], $0x2000  }
0x4b: {  	[sflag:s17] =	ssyncset.done $0x0  }
0x4c: {  	s25 =	simm.s32 $0x2B00;
	[sflag:s17] =	ssyncadd.s32 $0xFFFFE000  }
0x4d: {  	v0 =	vld [tilespmem:s25+$0xC0];
	_ =	sdelay $0x1  }
0x4e: {  	v1 =	vld [tilespmem:s25+$0xFFFFFF40];
	_ =	sdelay $0x1  }
0x4f: {  	v2 =	vld [tilespmem:s25+$0xFFFFFF80]  }
0x50: {  	s24 =	simm.s32 $0x6C00;
	v3 =	vshll.u32 v0, $0x10  }
0x51: {  	v4 =	vld [tilespmem:s25+$0xFFFFFFC0];
	v0 =	vand.u32 $0xFFFF0000, v0;
	[tilespmem:s24+$0x180] =	vst v3  }
0x52: {  	v5 =	vld [tilespmem:s25+$0xFFFFFF00];
	v3 =	vshll.u32 v1, $0x10;
	[tilespmem:s24+$0x1C0] =	vst v0  }
0x53: {  	v0 =	vand.u32 $0xFFFF0000, v1;
	[tilespmem:s24+$0xFFFFFE80] =	vst v3;
	v1 =	vld [tilespmem:s25+$0xD0]  }
0x54: {  	v3 =	vshll.u32 v2, $0x10;
	[tilespmem:s24+$0xFFFFFEC0] =	vst v0  }
0x55: {  	v0 =	vand.u32 $0xFFFF0000, v2;
	[tilespmem:s24+$0xFFFFFF00] =	vst v3  }
0x56: {  	v2 =	vshll.u32 v4, $0x10;
	[tilespmem:s24+$0xFFFFFF40] =	vst v0  }
0x57: {  	v0 =	vld [tilespmem:s25+$0x0];
	v3 =	vshll.u32 v5, $0x10;
	[tilespmem:s24+$0xFFFFFF80] =	vst v2  }
0x58: {  	[tilespmem:s24+$0xFFFFFE00] =	vst v3;
	v2 =	vshll.u32 v1, $0x10  }
0x59: {  	v3 =	vld [tilespmem:s25+$0x40];
	v1 =	vand.u32 $0xFFFF0000, v1;
	[tilespmem:s24+$0x190] =	vst v2  }
0x5a: {  	v2 =	vand.u32 $0xFFFF0000, v5;
	[tilespmem:s24+$0x1D0] =	vst v1  }
0x5b: {  	v1 =	vand.u32 $0xFFFF0000, v4;
	[tilespmem:s24+$0xFFFFFE40] =	vst v2;
	v2 =	vld [tilespmem:s25+$0xE0]  }
0x5c: {  	v4 =	vshll.u32 v0, $0x10;
	[tilespmem:s24+$0xFFFFFFC0] =	vst v1  }
0x5d: {  	v0 =	vand.u32 $0xFFFF0000, v0;
	v1 =	vld [tilespmem:s25+$0x80];
	[tilespmem:s24+$0x0] =	vst v4  }
0x5e: {  	v4 =	vshll.u32 v3, $0x10;
	[tilespmem:s24+$0x40] =	vst v0;
	v0 =	vand.u32 $0xFFFF0000, v3;
	v3 =	vld [tilespmem:s25+$0xFFFFFF10]  }
0x5f: {  	[tilespmem:s24+$0x80] =	vst v4  }
0x60: {  	[tilespmem:s24+$0xC0] =	vst v0;
	v0 =	vshll.u32 v2, $0x10  }
0x61: {  	v4 =	vld [tilespmem:s25+$0xFFFFFF50];
	[tilespmem:s24+$0x1A0] =	vst v0;
	v0 =	vand.u32 $0xFFFF0000, v2  }
0x62: {  	v2 =	vshll.u32 v1, $0x10;
	[tilespmem:s24+$0x1E0] =	vst v0  }
0x63: {  	v5 =	vshll.u32 v3, $0x10;
	[tilespmem:s24+$0x100] =	vst v2;
	v2 =	vld [tilespmem:s25+$0xFFFFFF90]  }
0x64: {  	v0 =	vand.u32 $0xFFFF0000, v1;
	[tilespmem:s24+$0xFFFFFE10] =	vst v5;
	v1 =	vld [tilespmem:s25+$0xF0]  }
0x65: {  	v5 =	vld [tilespmem:s25+$0xFFFFFFD0];
	[tilespmem:s24+$0x140] =	vst v0;
	v0 =	vand.u32 $0xFFFF0000, v3  }
0x66: {  	v3 =	vshll.u32 v4, $0x10;
	[tilespmem:s24+$0xFFFFFE50] =	vst v0  }
0x67: {  	v0 =	vand.u32 $0xFFFF0000, v4;
	[tilespmem:s24+$0xFFFFFE90] =	vst v3;
	v3 =	vld [tilespmem:s25+$0x10]  }
0x68: {  	[tilespmem:s24+$0xFFFFFED0] =	vst v0;
	v4 =	vshll.u32 v2, $0x10  }
0x69: {  	v0 =	vand.u32 $0xFFFF0000, v1;
	[tilespmem:s24+$0xFFFFFF10] =	vst v4  }
0x6a: {  	v4 =	vshll.u32 v5, $0x10;
	[tilespmem:s24+$0x1F0] =	vst v0;
	v0 =	vand.u32 $0xFFFF0000, v2;
	v2 =	vld [tilespmem:s25+$0x50]  }
0x6b: {  	[tilespmem:s24+$0xFFFFFF90] =	vst v4  }
0x6c: {  	v4 =	vshll.u32 v3, $0x10;
	[tilespmem:s24+$0xFFFFFF50] =	vst v0;
	v0 =	vand.u32 $0xFFFF0000, v5;
	v5 =	vld [tilespmem:s25+$0x90]  }
0x6d: {  	[tilespmem:s24+$0x10] =	vst v4  }
0x6e: {  	[tilespmem:s24+$0xFFFFFFD0] =	vst v0;
	v0 =	vand.u32 $0xFFFF0000, v3;
	v3 =	vld [tilespmem:s25+$0xFFFFFF20]  }
0x6f: {  	[tilespmem:s24+$0x50] =	vst v0;
	v4 =	vshll.u32 v2, $0x10  }
0x70: {  	v0 =	vand.u32 $0xFFFF0000, v2;
	v2 =	vld [tilespmem:s25+$0xFFFFFF60];
	[tilespmem:s24+$0x90] =	vst v4  }
0x71: {  	v4 =	vshll.u32 v5, $0x10;
	[tilespmem:s24+$0xD0] =	vst v0  }
0x72: {  	v0 =	vand.u32 $0xFFFF0000, v5;
	v5 =	vld [tilespmem:s25+$0xFFFFFFA0];
	[tilespmem:s24+$0x110] =	vst v4  }
0x73: {  	v4 =	vshll.u32 v3, $0x10;
	[tilespmem:s24+$0x150] =	vst v0  }
0x74: {  	v0 =	vand.u32 $0xFFFF0000, v3;
	v3 =	vld [tilespmem:s25+$0xFFFFFFE0];
	[tilespmem:s24+$0xFFFFFE20] =	vst v4  }
0x75: {  	[tilespmem:s24+$0xFFFFFE60] =	vst v0;
	v4 =	vshll.u32 v2, $0x10  }
0x76: {  	v0 =	vand.u32 $0xFFFF0000, v2;
	v2 =	vld [tilespmem:s25+$0x20];
	[tilespmem:s24+$0xFFFFFEA0] =	vst v4  }
0x77: {  	v4 =	vshll.u32 v5, $0x10;
	[tilespmem:s24+$0xFFFFFEE0] =	vst v0  }
0x78: {  	v0 =	vand.u32 $0xFFFF0000, v5;
	v5 =	vld [tilespmem:s25+$0x60];
	[tilespmem:s24+$0xFFFFFF20] =	vst v4  }
0x79: {  	v4 =	vshll.u32 v3, $0x10;
	[tilespmem:s24+$0xFFFFFF60] =	vst v0  }
0x7a: {  	v0 =	vand.u32 $0xFFFF0000, v3;
	v3 =	vld [tilespmem:s25+$0xA0];
	[tilespmem:s24+$0xFFFFFFA0] =	vst v4  }
0x7b: {  	[tilespmem:s24+$0xFFFFFFE0] =	vst v0;
	v4 =	vshll.u32 v2, $0x10  }
0x7c: {  	v0 =	vand.u32 $0xFFFF0000, v2;
	v2 =	vld [tilespmem:s25+$0xFFFFFF30];
	[tilespmem:s24+$0x20] =	vst v4  }
0x7d: {  	v4 =	vshll.u32 v5, $0x10;
	[tilespmem:s24+$0x60] =	vst v0  }
0x7e: {  	v0 =	vand.u32 $0xFFFF0000, v5;
	v5 =	vld [tilespmem:s25+$0xFFFFFF70];
	[tilespmem:s24+$0xA0] =	vst v4  }
0x7f: {  	v4 =	vshll.u32 v3, $0x10;
	[tilespmem:s24+$0xE0] =	vst v0  }
0x80: {  	v0 =	vand.u32 $0xFFFF0000, v3;
	v3 =	vld [tilespmem:s25+$0xFFFFFFB0];
	[tilespmem:s24+$0x120] =	vst v4  }
0x81: {  	[tilespmem:s24+$0x160] =	vst v0;
	v4 =	vshll.u32 v2, $0x10  }
0x82: {  	v6 =	vld [tilespmem:s25+$0x30];
	v0 =	vand.u32 $0xFFFF0000, v2;
	[tilespmem:s24+$0xFFFFFE30] =	vst v4  }
0x83: {  	v2 =	vld [tilespmem:s25+$0xFFFFFFF0];
	v4 =	vshll.u32 v5, $0x10;
	[tilespmem:s24+$0xFFFFFE70] =	vst v0  }
0x84: {  	v0 =	vand.u32 $0xFFFF0000, v5;
	v5 =	vld [tilespmem:s25+$0x70];
	[tilespmem:s24+$0xFFFFFEB0] =	vst v4  }
0x85: {  	v7 =	vld [tilespmem:s25+$0xB0];
	v4 =	vshll.u32 v3, $0x10;
	[tilespmem:s24+$0xFFFFFEF0] =	vst v0  }
0x86: {  	v0 =	vand.u32 $0xFFFF0000, v3;
	[tilespmem:s24+$0xFFFFFF30] =	vst v4  }
0x87: {  	v8 =	vshll.u32 v6, $0x10;
	[tilespmem:s24+$0xFFFFFF70] =	vst v0  }
0x88: {  	v0 =	vshll.u32 v1, $0x10;
	[tilespmem:s24+$0x30] =	vst v8;
	v3 =	vshll.u32 v2, $0x10  }
0x89: {  	v1 =	vand.u32 $0xFFFF0000, v6;
	v2 =	vand.u32 $0xFFFF0000, v2;
	[tilespmem:s24+$0xFFFFFFB0] =	vst v3;
	v3 =	vshll.u32 v5, $0x10  }
0x8a: {  	s26 =	simm.s32 $0x2D00;
	s25 =	simm.s32 $0x0;
	[tilespmem:s24+$0xFFFFFFF0] =	vst v2;
	v4 =	vand.u32 $0xFFFF0000, v5;
	v5 =	vshll.u32 v7, $0x10;
	v2 =	vand.u32 $0xFFFF0000, v7  }
.LBB2_3:
0x8b: {  	v6 =	vld [tilespmem:s26+$0xC0];
	[tilespmem:s24+$0x70] =	vst v1  }
0x8c: {  	v1 =	vld [tilespmem:s26+$0xFFFFFF40];
	[tilespmem:s24+$0xB0] =	vst v3  }
0x8d: {  	v3 =	vld [tilespmem:s26+$0xFFFFFF80];
	[tilespmem:s24+$0xF0] =	vst v4  }
0x8e: {  	s25 =	sadd.s32 $0x8, s25;
	v4 =	vld [tilespmem:s26+$0xFFFFFFC0];
	[tilespmem:s24+$0x130] =	vst v5  }
0x8f: {  	p0 =	slt.u32 s25, $0x78;
	v5 =	vld [tilespmem:s26+$0x0];
	[tilespmem:s24+$0x170] =	vst v2  }
0x90: {  	v2 =	vld [tilespmem:s26+$0x40];
	v7 =	vshll.u32 v6, $0x10;
	[tilespmem:s24+$0x1B0] =	vst v0;
	s24 =	sadd.s32 $0x400, s24  }
0x91: {  	v6 =	vand.u32 $0xFFFF0000, v6;
	v0 =	vshll.u32 v1, $0x10;
	v1 =	vand.u32 $0xFFFF0000, v1;
	v8 =	vld [tilespmem:s26+$0x80];
	[tilespmem:s24+$0x180] =	vst v7  }
0x92: {  	v7 =	vld [tilespmem:s26+$0xFFFFFF00];
	v9 =	vshll.u32 v3, $0x10;
	v3 =	vand.u32 $0xFFFF0000, v3;
	[tilespmem:s24+$0x1C0] =	vst v6  }
0x93: {  	[tilespmem:s24+$0xFFFFFE80] =	vst v0;
	v0 =	vshll.u32 v4, $0x10;
	v4 =	vand.u32 $0xFFFF0000, v4;
	v6 =	vld [tilespmem:s26+$0xD0]  }
0x94: {  	[tilespmem:s24+$0xFFFFFEC0] =	vst v1;
	v1 =	vshll.u32 v5, $0x10;
	v5 =	vand.u32 $0xFFFF0000, v5  }
0x95: {  	v10 =	vld [tilespmem:s26+$0xFFFFFF50];
	[tilespmem:s24+$0xFFFFFF00] =	vst v9;
	v9 =	vshll.u32 v2, $0x10;
	v2 =	vand.u32 $0xFFFF0000, v2  }
0x96: {  	[tilespmem:s24+$0xFFFFFF40] =	vst v3;
	v3 =	vshll.u32 v8, $0x10;
	v8 =	vand.u32 $0xFFFF0000, v8  }
0x97: {  	v11 =	vshll.u32 v7, $0x10;
	v7 =	vand.u32 $0xFFFF0000, v7;
	v12 =	vld [tilespmem:s26+$0xFFFFFF90];
	[tilespmem:s24+$0xFFFFFF80] =	vst v0  }
0x98: {  	[tilespmem:s24+$0xFFFFFE00] =	vst v11;
	v0 =	vshll.u32 v6, $0x10  }
0x99: {  	[tilespmem:s24+$0x190] =	vst v0;
	v0 =	vand.u32 $0xFFFF0000, v6  }
0x9a: {  	v6 =	vshll.u32 v10, $0x10;
	v10 =	vand.u32 $0xFFFF0000, v10;
	[tilespmem:s24+$0x1D0] =	vst v0  }
0x9b: {  	[tilespmem:s24+$0xFFFFFE40] =	vst v7;
	v0 =	vld [tilespmem:s26+$0xE0]  }
0x9c: {  	v7 =	vld [tilespmem:s26+$0xFFFFFF10];
	v11 =	vshll.u32 v12, $0x10;
	v12 =	vand.u32 $0xFFFF0000, v12;
	[tilespmem:s24+$0xFFFFFFC0] =	vst v4  }
0x9d: {  	v4 =	vld [tilespmem:s26+$0xFFFFFFD0];
	[tilespmem:s24+$0x0] =	vst v1  }
0x9e: {  	[tilespmem:s24+$0x40] =	vst v5  }
0x9f: {  	v1 =	vld [tilespmem:s26+$0x10];
	[tilespmem:s24+$0x80] =	vst v9  }
0xa0: {  	[tilespmem:s24+$0xC0] =	vst v2;
	v2 =	vshll.u32 v0, $0x10  }
0xa1: {  	v0 =	vand.u32 $0xFFFF0000, v0;
	v5 =	vshll.u32 v7, $0x10;
	v7 =	vand.u32 $0xFFFF0000, v7;
	v9 =	vld [tilespmem:s26+$0x50];
	[tilespmem:s24+$0x1A0] =	vst v2  }
0xa2: {  	v2 =	vshll.u32 v4, $0x10;
	v4 =	vand.u32 $0xFFFF0000, v4;
	[tilespmem:s24+$0x1E0] =	vst v0  }
0xa3: {  	[tilespmem:s24+$0x100] =	vst v3;
	v3 =	vld [tilespmem:s26+$0xF0]  }
0xa4: {  	v13 =	vshll.u32 v1, $0x10;
	v1 =	vand.u32 $0xFFFF0000, v1;
	[tilespmem:s24+$0x140] =	vst v8  }
0xa5: {  	[tilespmem:s24+$0xFFFFFE10] =	vst v5;
	v5 =	vld [tilespmem:s26+$0x90]  }
0xa6: {  	[tilespmem:s24+$0xFFFFFE50] =	vst v7;
	v7 =	vshll.u32 v9, $0x10;
	v8 =	vand.u32 $0xFFFF0000, v9  }
0xa7: {  	v9 =	vld [tilespmem:s26+$0xFFFFFF20];
	[tilespmem:s24+$0xFFFFFE90] =	vst v6  }
0xa8: {  	[tilespmem:s24+$0xFFFFFED0] =	vst v10;
	v0 =	vshll.u32 v3, $0x10;
	v3 =	vand.u32 $0xFFFF0000, v3  }
0xa9: {  	v6 =	vld [tilespmem:s26+$0xFFFFFF60];
	[tilespmem:s24+$0x1F0] =	vst v3  }
0xaa: {  	[tilespmem:s24+$0xFFFFFF10] =	vst v11;
	v3 =	vshll.u32 v5, $0x10;
	v5 =	vand.u32 $0xFFFF0000, v5  }
0xab: {  	[tilespmem:s24+$0xFFFFFF50] =	vst v12  }
0xac: {  	v10 =	vshll.u32 v9, $0x10;
	v9 =	vand.u32 $0xFFFF0000, v9;
	v11 =	vld [tilespmem:s26+$0xFFFFFFA0];
	[tilespmem:s24+$0xFFFFFF90] =	vst v2  }
0xad: {  	[tilespmem:s24+$0xFFFFFFD0] =	vst v4  }
0xae: {  	v2 =	vshll.u32 v6, $0x10;
	v4 =	vand.u32 $0xFFFF0000, v6;
	v6 =	vld [tilespmem:s26+$0xFFFFFFE0];
	[tilespmem:s24+$0x10] =	vst v13  }
0xaf: {  	[tilespmem:s24+$0x50] =	vst v1  }
0xb0: {  	v1 =	vld [tilespmem:s26+$0x20];
	[tilespmem:s24+$0x90] =	vst v7  }
0xb1: {  	v7 =	vshll.u32 v11, $0x10;
	v11 =	vand.u32 $0xFFFF0000, v11;
	[tilespmem:s24+$0xD0] =	vst v8  }
0xb2: {  	v8 =	vld [tilespmem:s26+$0x60];
	[tilespmem:s24+$0x110] =	vst v3  }
0xb3: {  	v3 =	vshll.u32 v6, $0x10;
	v6 =	vand.u32 $0xFFFF0000, v6;
	[tilespmem:s24+$0x150] =	vst v5  }
0xb4: {  	[tilespmem:s24+$0xFFFFFE20] =	vst v10;
	v5 =	vld [tilespmem:s26+$0xA0]  }
0xb5: {  	[tilespmem:s24+$0xFFFFFE60] =	vst v9;
	v9 =	vshll.u32 v1, $0x10;
	v1 =	vand.u32 $0xFFFF0000, v1  }
0xb6: {  	v10 =	vld [tilespmem:s26+$0xFFFFFF30];
	[tilespmem:s24+$0xFFFFFEA0] =	vst v2  }
0xb7: {  	[tilespmem:s24+$0xFFFFFEE0] =	vst v4;
	v2 =	vshll.u32 v8, $0x10;
	v4 =	vand.u32 $0xFFFF0000, v8  }
0xb8: {  	v8 =	vld [tilespmem:s26+$0xFFFFFF70];
	[tilespmem:s24+$0xFFFFFF20] =	vst v7  }
0xb9: {  	[tilespmem:s24+$0xFFFFFF60] =	vst v11;
	v7 =	vshll.u32 v5, $0x10;
	v5 =	vand.u32 $0xFFFF0000, v5  }
0xba: {  	v11 =	vld [tilespmem:s26+$0xFFFFFFB0];
	[tilespmem:s24+$0xFFFFFFA0] =	vst v3  }
0xbb: {  	v3 =	vshll.u32 v10, $0x10;
	v10 =	vand.u32 $0xFFFF0000, v10;
	[tilespmem:s24+$0xFFFFFFE0] =	vst v6  }
0xbc: {  	v6 =	vld [tilespmem:s26+$0xFFFFFFF0];
	[tilespmem:s24+$0x20] =	vst v9  }
0xbd: {  	v9 =	vshll.u32 v8, $0x10;
	v8 =	vand.u32 $0xFFFF0000, v8;
	[tilespmem:s24+$0x60] =	vst v1  }
0xbe: {  	v1 =	vld [tilespmem:s26+$0x30];
	[tilespmem:s24+$0xA0] =	vst v2  }
0xbf: {  	v2 =	vshll.u32 v11, $0x10;
	v11 =	vand.u32 $0xFFFF0000, v11;
	[tilespmem:s24+$0xE0] =	vst v4  }
0xc0: {  	v4 =	vld [tilespmem:s26+$0x70];
	[tilespmem:s24+$0x120] =	vst v7  }
0xc1: {  	v7 =	vshll.u32 v6, $0x10;
	v6 =	vand.u32 $0xFFFF0000, v6;
	[tilespmem:s24+$0x160] =	vst v5  }
0xc2: {  	[tilespmem:s24+$0xFFFFFE30] =	vst v3;
	v12 =	vld [tilespmem:s26+$0xB0]  }
0xc3: {  	[tilespmem:s24+$0xFFFFFE70] =	vst v10;
	v10 =	vshll.u32 v1, $0x10;
	v1 =	vand.u32 $0xFFFF0000, v1  }
0xc4: {  	[tilespmem:s24+$0xFFFFFEB0] =	vst v9  }
0xc5: {  	[tilespmem:s24+$0xFFFFFEF0] =	vst v8;
	v3 =	vshll.u32 v4, $0x10;
	v4 =	vand.u32 $0xFFFF0000, v4  }
.Ltmp2:
0xc6: {  	[tilespmem:s24+$0xFFFFFF30] =	vst v2;
	(pc) =	sbr.rel @p0 .LBB2_3-.Ltmp2, $4  }
0xc7: {  	[tilespmem:s24+$0xFFFFFF70] =	vst v11;
	v5 =	vshll.u32 v12, $0x10;
	v2 =	vand.u32 $0xFFFF0000, v12  }
0xc8: {  	[tilespmem:s24+$0xFFFFFFB0] =	vst v7  }
0xc9: {  	[tilespmem:s24+$0xFFFFFFF0] =	vst v6  }
0xca: {  	s26 =	sadd.s32 $0x200, s26;
	[tilespmem:s24+$0x30] =	vst v10  }
0xcb: {  	[tilespmem:s24+$0x70] =	vst v1  }
0xcc: {  	[tilespmem:s24+$0xB0] =	vst v3  }
0xcd: {  	[tilespmem:s24+$0xF0] =	vst v4  }
0xce: {  	[tilespmem:s24+$0x130] =	vst v5  }
0xcf: {  	[tilespmem:s24+$0x170] =	vst v2  }
0xd0: {  	[tilespmem:s24+$0x1B0] =	vst v0  }
0xd1: {  	[spmem:s2] =	stream.indirect.scatter.add.f32 [tilespmem:s19], [sflag:$0x3], $0x80, s18, s10, $0xb8;
	[tilespmem:$0x1E600] =	vst v63  }
0xd2: {  	_ =	swait.ge [sflag:s9], $0x4000  }
0xd3: {  	[sflag:s9] =	ssyncset.done $0x0  }
0xd4: {  	s24 =	sshll.u32 s23, $0x8;
	p0 =	seq.s32 s23, $0x27;
	[sflag:s9] =	ssyncadd.s32 $0xFFFFC000  }
0xd5: {  	v0 =	vld @!p0 [tilespmem:s24+$0x100];
	_ =	sdelay $0x4  }
0xd6: {  	v1 =	vand.u32 @!p0 $0xFFFF, v0  }
0xd7: {  	v0 =	vshrl.u32 @!p0 v0, $0x10;
	[tilespmem:$0x2800] =	vst @!p0 v1  }
0xd8: {  	[tilespmem:$0x2900] =	vst @!p0 v0  }
0xd9: {  	v0 =	vld @!p0 [tilespmem:s24+$0x110];
	_ =	sdelay $0x4  }
0xda: {  	v1 =	vand.u32 @!p0 $0xFFFF, v0  }
0xdb: {  	v0 =	vshrl.u32 @!p0 v0, $0x10;
	[tilespmem:$0x2810] =	vst @!p0 v1  }
0xdc: {  	[tilespmem:$0x2910] =	vst @!p0 v0  }
0xdd: {  	v0 =	vld @!p0 [tilespmem:s24+$0x120];
	_ =	sdelay $0x4  }
0xde: {  	v1 =	vand.u32 @!p0 $0xFFFF, v0  }
0xdf: {  	v0 =	vshrl.u32 @!p0 v0, $0x10;
	[tilespmem:$0x2820] =	vst @!p0 v1  }
0xe0: {  	[tilespmem:$0x2920] =	vst @!p0 v0  }
0xe1: {  	v0 =	vld @!p0 [tilespmem:s24+$0x130];
	_ =	sdelay $0x4  }
0xe2: {  	v1 =	vand.u32 @!p0 $0xFFFF, v0  }
0xe3: {  	v0 =	vshrl.u32 @!p0 v0, $0x10;
	[tilespmem:$0x2830] =	vst @!p0 v1  }
0xe4: {  	[tilespmem:$0x2930] =	vst @!p0 v0  }
0xe5: {  	v0 =	vld @!p0 [tilespmem:s24+$0x140];
	_ =	sdelay $0x4  }
0xe6: {  	v1 =	vand.u32 @!p0 $0xFFFF, v0  }
0xe7: {  	v0 =	vshrl.u32 @!p0 v0, $0x10;
	[tilespmem:$0x2840] =	vst @!p0 v1  }
0xe8: {  	[tilespmem:$0x2940] =	vst @!p0 v0  }
0xe9: {  	v0 =	vld @!p0 [tilespmem:s24+$0x150];
	_ =	sdelay $0x4  }
0xea: {  	v1 =	vand.u32 @!p0 $0xFFFF, v0  }
0xeb: {  	v0 =	vshrl.u32 @!p0 v0, $0x10;
	[tilespmem:$0x2850] =	vst @!p0 v1  }
0xec: {  	[tilespmem:$0x2950] =	vst @!p0 v0  }
0xed: {  	v0 =	vld @!p0 [tilespmem:s24+$0x160];
	_ =	sdelay $0x4  }
0xee: {  	v1 =	vand.u32 @!p0 $0xFFFF, v0  }
0xef: {  	v0 =	vshrl.u32 @!p0 v0, $0x10;
	[tilespmem:$0x2860] =	vst @!p0 v1  }
0xf0: {  	[tilespmem:$0x2960] =	vst @!p0 v0  }
0xf1: {  	v0 =	vld @!p0 [tilespmem:s24+$0x170];
	_ =	sdelay $0x4  }
0xf2: {  	v1 =	vand.u32 @!p0 $0xFFFF, v0  }
0xf3: {  	v0 =	vshrl.u32 @!p0 v0, $0x10;
	[tilespmem:$0x2870] =	vst @!p0 v1  }
0xf4: {  	s25 =	simm.s32 @!p0 $0x80;
	s26 =	simm.s32 @!p0 $0x2800;
	s28 =	simm.s32 @!p0 $0x2A00;
	[tilespmem:$0x2970] =	vst @!p0 v0  }
0xf5: {  	[tilespmem:s28], [sflag:$0x1] =	stream.indirect.gather @!p0 [hbm4b:s4+s25], $0x40, s26, s25, $0xb8;
	[tilespmem:$0x1E600] =	vst v63  }
0xf6: {  	_ =	swait.ge [sflag:s20], $0x2000  }
0xf7: {  	[sflag:s20] =	ssyncset.done $0x0  }
0xf8: {  	s31 =	simm.s32 $0x4BF0;
	[sflag:s20] =	ssyncadd.s32 $0xFFFFE000  }
0xf9: {  	v0 =	vld [tilespmem:s31+$0xFFFFFFD0];
	_ =	sdelay $0x1  }
0xfa: {  	v1 =	vld [tilespmem:s31+$0xFFFFFE50];
	_ =	sdelay $0x1  }
0xfb: {  	v2 =	vld [tilespmem:s31+$0xFFFFFE90]  }
0xfc: {  	s25 =	simm.s32 $0x6C00;
	v3 =	vshll.u32 v0, $0x10  }
0xfd: {  	v4 =	vld [tilespmem:s31+$0xFFFFFED0];
	v0 =	vand.u32 $0xFFFF0000, v0;
	[tilespmem:s25+$0x180] =	vst v3  }
0xfe: {  	v5 =	vld [tilespmem:s31+$0xFFFFFE10];
	v3 =	vshll.u32 v1, $0x10;
	[tilespmem:s25+$0x1C0] =	vst v0  }
0xff: {  	v0 =	vand.u32 $0xFFFF0000, v1;
	[tilespmem:s25+$0xFFFFFE80] =	vst v3;
	v1 =	vld [tilespmem:s31+$0xFFFFFFE0]  }
0x100: {  	v3 =	vshll.u32 v2, $0x10;
	[tilespmem:s25+$0xFFFFFEC0] =	vst v0  }
0x101: {  	v0 =	vand.u32 $0xFFFF0000, v2;
	[tilespmem:s25+$0xFFFFFF00] =	vst v3  }
0x102: {  	v2 =	vshll.u32 v4, $0x10;
	[tilespmem:s25+$0xFFFFFF40] =	vst v0  }
0x103: {  	v0 =	vld [tilespmem:s31+$0xFFFFFF10];
	v3 =	vshll.u32 v5, $0x10;
	[tilespmem:s25+$0xFFFFFF80] =	vst v2  }
0x104: {  	[tilespmem:s25+$0xFFFFFE00] =	vst v3;
	v2 =	vshll.u32 v1, $0x10  }
0x105: {  	v3 =	vld [tilespmem:s31+$0xFFFFFF50];
	v1 =	vand.u32 $0xFFFF0000, v1;
	[tilespmem:s25+$0x190] =	vst v2  }
0x106: {  	v2 =	vand.u32 $0xFFFF0000, v5;
	[tilespmem:s25+$0x1D0] =	vst v1  }
0x107: {  	v1 =	vand.u32 $0xFFFF0000, v4;
	[tilespmem:s25+$0xFFFFFE40] =	vst v2;
	v2 =	vld [tilespmem:s31+$0xFFFFFFF0]  }
0x108: {  	v4 =	vshll.u32 v0, $0x10;
	[tilespmem:s25+$0xFFFFFFC0] =	vst v1  }
0x109: {  	v0 =	vand.u32 $0xFFFF0000, v0;
	v1 =	vld [tilespmem:s31+$0xFFFFFF90];
	[tilespmem:s25+$0x0] =	vst v4  }
0x10a: {  	v4 =	vshll.u32 v3, $0x10;
	[tilespmem:s25+$0x40] =	vst v0;
	v0 =	vand.u32 $0xFFFF0000, v3;
	v3 =	vld [tilespmem:s31+$0xFFFFFE20]  }
0x10b: {  	[tilespmem:s25+$0x80] =	vst v4  }
0x10c: {  	[tilespmem:s25+$0xC0] =	vst v0;
	v0 =	vshll.u32 v2, $0x10  }
0x10d: {  	v4 =	vld [tilespmem:s31+$0xFFFFFE60];
	[tilespmem:s25+$0x1A0] =	vst v0;
	v0 =	vand.u32 $0xFFFF0000, v2  }
0x10e: {  	v2 =	vshll.u32 v1, $0x10;
	[tilespmem:s25+$0x1E0] =	vst v0  }
0x10f: {  	v5 =	vshll.u32 v3, $0x10;
	[tilespmem:s25+$0x100] =	vst v2;
	v2 =	vld [tilespmem:s31+$0xFFFFFEA0]  }
0x110: {  	v0 =	vand.u32 $0xFFFF0000, v1;
	[tilespmem:s25+$0xFFFFFE10] =	vst v5;
	v1 =	vld [tilespmem:s31+$0x0]  }
0x111: {  	v5 =	vld [tilespmem:s31+$0xFFFFFEE0];
	[tilespmem:s25+$0x140] =	vst v0;
	v0 =	vand.u32 $0xFFFF0000, v3  }
0x112: {  	v3 =	vshll.u32 v4, $0x10;
	[tilespmem:s25+$0xFFFFFE50] =	vst v0  }
0x113: {  	v0 =	vand.u32 $0xFFFF0000, v4;
	[tilespmem:s25+$0xFFFFFE90] =	vst v3;
	v3 =	vld [tilespmem:s31+$0xFFFFFF20]  }
0x114: {  	[tilespmem:s25+$0xFFFFFED0] =	vst v0;
	v4 =	vshll.u32 v2, $0x10  }
0x115: {  	v0 =	vand.u32 $0xFFFF0000, v1;
	[tilespmem:s25+$0xFFFFFF10] =	vst v4  }
0x116: {  	v4 =	vshll.u32 v5, $0x10;
	[tilespmem:s25+$0x1F0] =	vst v0;
	v0 =	vand.u32 $0xFFFF0000, v2;
	v2 =	vld [tilespmem:s31+$0xFFFFFF60]  }
0x117: {  	[tilespmem:s25+$0xFFFFFF90] =	vst v4  }
0x118: {  	v4 =	vshll.u32 v3, $0x10;
	[tilespmem:s25+$0xFFFFFF50] =	vst v0;
	v0 =	vand.u32 $0xFFFF0000, v5;
	v5 =	vld [tilespmem:s31+$0xFFFFFFA0]  }
0x119: {  	[tilespmem:s25+$0x10] =	vst v4  }
0x11a: {  	[tilespmem:s25+$0xFFFFFFD0] =	vst v0;
	v0 =	vand.u32 $0xFFFF0000, v3;
	v3 =	vld [tilespmem:s31+$0xFFFFFE30]  }
0x11b: {  	[tilespmem:s25+$0x50] =	vst v0;
	v4 =	vshll.u32 v2, $0x10  }
0x11c: {  	v0 =	vand.u32 $0xFFFF0000, v2;
	v2 =	vld [tilespmem:s31+$0xFFFFFE70];
	[tilespmem:s25+$0x90] =	vst v4  }
0x11d: {  	v4 =	vshll.u32 v5, $0x10;
	[tilespmem:s25+$0xD0] =	vst v0  }
0x11e: {  	v0 =	vand.u32 $0xFFFF0000, v5;
	v5 =	vld [tilespmem:s31+$0xFFFFFEB0];
	[tilespmem:s25+$0x110] =	vst v4  }
0x11f: {  	v4 =	vshll.u32 v3, $0x10;
	[tilespmem:s25+$0x150] =	vst v0  }
0x120: {  	v0 =	vand.u32 $0xFFFF0000, v3;
	v3 =	vld [tilespmem:s31+$0xFFFFFEF0];
	[tilespmem:s25+$0xFFFFFE20] =	vst v4  }
0x121: {  	[tilespmem:s25+$0xFFFFFE60] =	vst v0;
	v4 =	vshll.u32 v2, $0x10  }
0x122: {  	v0 =	vand.u32 $0xFFFF0000, v2;
	v2 =	vld [tilespmem:s31+$0xFFFFFF30];
	[tilespmem:s25+$0xFFFFFEA0] =	vst v4  }
0x123: {  	v4 =	vshll.u32 v5, $0x10;
	[tilespmem:s25+$0xFFFFFEE0] =	vst v0  }
0x124: {  	v0 =	vand.u32 $0xFFFF0000, v5;
	v5 =	vld [tilespmem:s31+$0xFFFFFF70];
	[tilespmem:s25+$0xFFFFFF20] =	vst v4  }
0x125: {  	v4 =	vshll.u32 v3, $0x10;
	[tilespmem:s25+$0xFFFFFF60] =	vst v0  }
0x126: {  	v0 =	vand.u32 $0xFFFF0000, v3;
	v3 =	vld [tilespmem:s31+$0xFFFFFFB0];
	[tilespmem:s25+$0xFFFFFFA0] =	vst v4  }
0x127: {  	[tilespmem:s25+$0xFFFFFFE0] =	vst v0;
	v4 =	vshll.u32 v2, $0x10  }
0x128: {  	v0 =	vand.u32 $0xFFFF0000, v2;
	v2 =	vld [tilespmem:s31+$0xFFFFFE40];
	[tilespmem:s25+$0x20] =	vst v4  }
0x129: {  	v4 =	vshll.u32 v5, $0x10;
	[tilespmem:s25+$0x60] =	vst v0  }
0x12a: {  	v0 =	vand.u32 $0xFFFF0000, v5;
	v5 =	vld [tilespmem:s31+$0xFFFFFE80];
	[tilespmem:s25+$0xA0] =	vst v4  }
0x12b: {  	v4 =	vshll.u32 v3, $0x10;
	[tilespmem:s25+$0xE0] =	vst v0  }
0x12c: {  	v0 =	vand.u32 $0xFFFF0000, v3;
	v3 =	vld [tilespmem:s31+$0xFFFFFEC0];
	[tilespmem:s25+$0x120] =	vst v4  }
0x12d: {  	[tilespmem:s25+$0x160] =	vst v0;
	v4 =	vshll.u32 v2, $0x10  }
0x12e: {  	v6 =	vld [tilespmem:s31+$0xFFFFFF40];
	v0 =	vand.u32 $0xFFFF0000, v2;
	[tilespmem:s25+$0xFFFFFE30] =	vst v4  }
0x12f: {  	v2 =	vld [tilespmem:s31+$0xFFFFFF00];
	v4 =	vshll.u32 v5, $0x10;
	[tilespmem:s25+$0xFFFFFE70] =	vst v0  }
0x130: {  	v0 =	vand.u32 $0xFFFF0000, v5;
	v5 =	vld [tilespmem:s31+$0xFFFFFF80];
	[tilespmem:s25+$0xFFFFFEB0] =	vst v4  }
0x131: {  	v7 =	vld [tilespmem:s31+$0xFFFFFFC0];
	v4 =	vshll.u32 v3, $0x10;
	[tilespmem:s25+$0xFFFFFEF0] =	vst v0  }
0x132: {  	v0 =	vand.u32 $0xFFFF0000, v3;
	[tilespmem:s25+$0xFFFFFF30] =	vst v4  }
0x133: {  	v8 =	vshll.u32 v6, $0x10;
	[tilespmem:s25+$0xFFFFFF70] =	vst v0  }
0x134: {  	v0 =	vshll.u32 v1, $0x10;
	[tilespmem:s25+$0x30] =	vst v8;
	v3 =	vshll.u32 v2, $0x10  }
0x135: {  	v1 =	vand.u32 $0xFFFF0000, v6;
	v2 =	vand.u32 $0xFFFF0000, v2;
	[tilespmem:s25+$0xFFFFFFB0] =	vst v3;
	v3 =	vshll.u32 v5, $0x10  }
0x136: {  	s26 =	simm.s32 $0x0;
	s28 =	simm.s32 $0x4DF0;
	[tilespmem:s25+$0xFFFFFFF0] =	vst v2;
	v4 =	vand.u32 $0xFFFF0000, v5;
	v5 =	vshll.u32 v7, $0x10;
	v2 =	vand.u32 $0xFFFF0000, v7  }
.LBB2_5:
0x137: {  	v6 =	vld [tilespmem:s28+$0xFFFFFFD0];
	[tilespmem:s25+$0x70] =	vst v1  }
0x138: {  	v1 =	vld [tilespmem:s28+$0xFFFFFE50];
	[tilespmem:s25+$0xB0] =	vst v3  }
0x139: {  	v3 =	vld [tilespmem:s28+$0xFFFFFE90];
	[tilespmem:s25+$0xF0] =	vst v4  }
0x13a: {  	s26 =	sadd.s32 $0x8, s26;
	v4 =	vld [tilespmem:s28+$0xFFFFFED0];
	[tilespmem:s25+$0x130] =	vst v5  }
0x13b: {  	p1 =	slt.u32 s26, $0x78;
	v5 =	vld [tilespmem:s28+$0xFFFFFF10];
	[tilespmem:s25+$0x170] =	vst v2  }
0x13c: {  	v2 =	vld [tilespmem:s28+$0xFFFFFF50];
	v7 =	vshll.u32 v6, $0x10;
	[tilespmem:s25+$0x1B0] =	vst v0;
	s25 =	sadd.s32 $0x400, s25  }
0x13d: {  	v6 =	vand.u32 $0xFFFF0000, v6;
	v0 =	vshll.u32 v1, $0x10;
	v1 =	vand.u32 $0xFFFF0000, v1;
	v8 =	vld [tilespmem:s28+$0xFFFFFF90];
	[tilespmem:s25+$0x180] =	vst v7  }
0x13e: {  	v7 =	vld [tilespmem:s28+$0xFFFFFE10];
	v9 =	vshll.u32 v3, $0x10;
	v3 =	vand.u32 $0xFFFF0000, v3;
	[tilespmem:s25+$0x1C0] =	vst v6  }
0x13f: {  	[tilespmem:s25+$0xFFFFFE80] =	vst v0;
	v0 =	vshll.u32 v4, $0x10;
	v4 =	vand.u32 $0xFFFF0000, v4;
	v6 =	vld [tilespmem:s28+$0xFFFFFFE0]  }
0x140: {  	[tilespmem:s25+$0xFFFFFEC0] =	vst v1;
	v1 =	vshll.u32 v5, $0x10;
	v5 =	vand.u32 $0xFFFF0000, v5  }
0x141: {  	v10 =	vld [tilespmem:s28+$0xFFFFFE60];
	[tilespmem:s25+$0xFFFFFF00] =	vst v9;
	v9 =	vshll.u32 v2, $0x10;
	v2 =	vand.u32 $0xFFFF0000, v2  }
0x142: {  	[tilespmem:s25+$0xFFFFFF40] =	vst v3;
	v3 =	vshll.u32 v8, $0x10;
	v8 =	vand.u32 $0xFFFF0000, v8  }
0x143: {  	v11 =	vshll.u32 v7, $0x10;
	v7 =	vand.u32 $0xFFFF0000, v7;
	v12 =	vld [tilespmem:s28+$0xFFFFFEA0];
	[tilespmem:s25+$0xFFFFFF80] =	vst v0  }
0x144: {  	[tilespmem:s25+$0xFFFFFE00] =	vst v11;
	v0 =	vshll.u32 v6, $0x10  }
0x145: {  	[tilespmem:s25+$0x190] =	vst v0;
	v0 =	vand.u32 $0xFFFF0000, v6  }
0x146: {  	v6 =	vshll.u32 v10, $0x10;
	v10 =	vand.u32 $0xFFFF0000, v10;
	[tilespmem:s25+$0x1D0] =	vst v0  }
0x147: {  	[tilespmem:s25+$0xFFFFFE40] =	vst v7;
	v0 =	vld [tilespmem:s28+$0xFFFFFFF0]  }
0x148: {  	v7 =	vld [tilespmem:s28+$0xFFFFFE20];
	v11 =	vshll.u32 v12, $0x10;
	v12 =	vand.u32 $0xFFFF0000, v12;
	[tilespmem:s25+$0xFFFFFFC0] =	vst v4  }
0x149: {  	v4 =	vld [tilespmem:s28+$0xFFFFFEE0];
	[tilespmem:s25+$0x0] =	vst v1  }
0x14a: {  	[tilespmem:s25+$0x40] =	vst v5  }
0x14b: {  	v1 =	vld [tilespmem:s28+$0xFFFFFF20];
	[tilespmem:s25+$0x80] =	vst v9  }
0x14c: {  	[tilespmem:s25+$0xC0] =	vst v2;
	v2 =	vshll.u32 v0, $0x10  }
0x14d: {  	v0 =	vand.u32 $0xFFFF0000, v0;
	v5 =	vshll.u32 v7, $0x10;
	v7 =	vand.u32 $0xFFFF0000, v7;
	v9 =	vld [tilespmem:s28+$0xFFFFFF60];
	[tilespmem:s25+$0x1A0] =	vst v2  }
0x14e: {  	v2 =	vshll.u32 v4, $0x10;
	v4 =	vand.u32 $0xFFFF0000, v4;
	[tilespmem:s25+$0x1E0] =	vst v0  }
0x14f: {  	[tilespmem:s25+$0x100] =	vst v3;
	v3 =	vld [tilespmem:s28+$0x0]  }
0x150: {  	v13 =	vshll.u32 v1, $0x10;
	v1 =	vand.u32 $0xFFFF0000, v1;
	[tilespmem:s25+$0x140] =	vst v8  }
0x151: {  	[tilespmem:s25+$0xFFFFFE10] =	vst v5;
	v5 =	vld [tilespmem:s28+$0xFFFFFFA0]  }
0x152: {  	[tilespmem:s25+$0xFFFFFE50] =	vst v7;
	v7 =	vshll.u32 v9, $0x10;
	v8 =	vand.u32 $0xFFFF0000, v9  }
0x153: {  	v9 =	vld [tilespmem:s28+$0xFFFFFE30];
	[tilespmem:s25+$0xFFFFFE90] =	vst v6  }
0x154: {  	[tilespmem:s25+$0xFFFFFED0] =	vst v10;
	v0 =	vshll.u32 v3, $0x10;
	v3 =	vand.u32 $0xFFFF0000, v3  }
0x155: {  	v6 =	vld [tilespmem:s28+$0xFFFFFE70];
	[tilespmem:s25+$0x1F0] =	vst v3  }
0x156: {  	[tilespmem:s25+$0xFFFFFF10] =	vst v11;
	v3 =	vshll.u32 v5, $0x10;
	v5 =	vand.u32 $0xFFFF0000, v5  }
0x157: {  	[tilespmem:s25+$0xFFFFFF50] =	vst v12  }
0x158: {  	v10 =	vshll.u32 v9, $0x10;
	v9 =	vand.u32 $0xFFFF0000, v9;
	v11 =	vld [tilespmem:s28+$0xFFFFFEB0];
	[tilespmem:s25+$0xFFFFFF90] =	vst v2  }
0x159: {  	[tilespmem:s25+$0xFFFFFFD0] =	vst v4  }
0x15a: {  	v2 =	vshll.u32 v6, $0x10;
	v4 =	vand.u32 $0xFFFF0000, v6;
	v6 =	vld [tilespmem:s28+$0xFFFFFEF0];
	[tilespmem:s25+$0x10] =	vst v13  }
0x15b: {  	[tilespmem:s25+$0x50] =	vst v1  }
0x15c: {  	v1 =	vld [tilespmem:s28+$0xFFFFFF30];
	[tilespmem:s25+$0x90] =	vst v7  }
0x15d: {  	v7 =	vshll.u32 v11, $0x10;
	v11 =	vand.u32 $0xFFFF0000, v11;
	[tilespmem:s25+$0xD0] =	vst v8  }
0x15e: {  	v8 =	vld [tilespmem:s28+$0xFFFFFF70];
	[tilespmem:s25+$0x110] =	vst v3  }
0x15f: {  	v3 =	vshll.u32 v6, $0x10;
	v6 =	vand.u32 $0xFFFF0000, v6;
	[tilespmem:s25+$0x150] =	vst v5  }
0x160: {  	[tilespmem:s25+$0xFFFFFE20] =	vst v10;
	v5 =	vld [tilespmem:s28+$0xFFFFFFB0]  }
0x161: {  	[tilespmem:s25+$0xFFFFFE60] =	vst v9;
	v9 =	vshll.u32 v1, $0x10;
	v1 =	vand.u32 $0xFFFF0000, v1  }
0x162: {  	v10 =	vld [tilespmem:s28+$0xFFFFFE40];
	[tilespmem:s25+$0xFFFFFEA0] =	vst v2  }
0x163: {  	[tilespmem:s25+$0xFFFFFEE0] =	vst v4;
	v2 =	vshll.u32 v8, $0x10;
	v4 =	vand.u32 $0xFFFF0000, v8  }
0x164: {  	v8 =	vld [tilespmem:s28+$0xFFFFFE80];
	[tilespmem:s25+$0xFFFFFF20] =	vst v7  }
0x165: {  	[tilespmem:s25+$0xFFFFFF60] =	vst v11;
	v7 =	vshll.u32 v5, $0x10;
	v5 =	vand.u32 $0xFFFF0000, v5  }
0x166: {  	v11 =	vld [tilespmem:s28+$0xFFFFFEC0];
	[tilespmem:s25+$0xFFFFFFA0] =	vst v3  }
0x167: {  	v3 =	vshll.u32 v10, $0x10;
	v10 =	vand.u32 $0xFFFF0000, v10;
	[tilespmem:s25+$0xFFFFFFE0] =	vst v6  }
0x168: {  	v6 =	vld [tilespmem:s28+$0xFFFFFF00];
	[tilespmem:s25+$0x20] =	vst v9  }
0x169: {  	v9 =	vshll.u32 v8, $0x10;
	v8 =	vand.u32 $0xFFFF0000, v8;
	[tilespmem:s25+$0x60] =	vst v1  }
0x16a: {  	v1 =	vld [tilespmem:s28+$0xFFFFFF40];
	[tilespmem:s25+$0xA0] =	vst v2  }
0x16b: {  	v2 =	vshll.u32 v11, $0x10;
	v11 =	vand.u32 $0xFFFF0000, v11;
	[tilespmem:s25+$0xE0] =	vst v4  }
0x16c: {  	v4 =	vld [tilespmem:s28+$0xFFFFFF80];
	[tilespmem:s25+$0x120] =	vst v7  }
0x16d: {  	v7 =	vshll.u32 v6, $0x10;
	v6 =	vand.u32 $0xFFFF0000, v6;
	[tilespmem:s25+$0x160] =	vst v5  }
0x16e: {  	[tilespmem:s25+$0xFFFFFE30] =	vst v3;
	v12 =	vld [tilespmem:s28+$0xFFFFFFC0]  }
0x16f: {  	[tilespmem:s25+$0xFFFFFE70] =	vst v10;
	v10 =	vshll.u32 v1, $0x10;
	v1 =	vand.u32 $0xFFFF0000, v1  }
0x170: {  	[tilespmem:s25+$0xFFFFFEB0] =	vst v9  }
0x171: {  	[tilespmem:s25+$0xFFFFFEF0] =	vst v8;
	v3 =	vshll.u32 v4, $0x10;
	v4 =	vand.u32 $0xFFFF0000, v4  }
.Ltmp3:
0x172: {  	[tilespmem:s25+$0xFFFFFF30] =	vst v2;
	(pc) =	sbr.rel @p1 .LBB2_5-.Ltmp3, $4  }
0x173: {  	[tilespmem:s25+$0xFFFFFF70] =	vst v11;
	v5 =	vshll.u32 v12, $0x10;
	v2 =	vand.u32 $0xFFFF0000, v12  }
0x174: {  	[tilespmem:s25+$0xFFFFFFB0] =	vst v7  }
0x175: {  	[tilespmem:s25+$0xFFFFFFF0] =	vst v6  }
0x176: {  	s28 =	sadd.s32 $0x200, s28;
	[tilespmem:s25+$0x30] =	vst v10  }
0x177: {  	[tilespmem:s25+$0x70] =	vst v1  }
0x178: {  	[tilespmem:s25+$0xB0] =	vst v3  }
0x179: {  	[tilespmem:s25+$0xF0] =	vst v4  }
0x17a: {  	[tilespmem:s25+$0x130] =	vst v5  }
0x17b: {  	[tilespmem:s25+$0x170] =	vst v2  }
.Ltmp4:
0x17c: {  	[tilespmem:s25+$0x1B0] =	vst v0;
	(pc) =	sbr.rel @p0 .LBB2_8-.Ltmp4, $4  }
0x17d: {  	[spmem:s2] =	stream.indirect.scatter.add.f32 [tilespmem:s19], [sflag:$0x3], $0x80, s21, s10, $0xb8;
	[tilespmem:$0x1E600] =	vst v63  }
0x17e: {  	_ =	swait.ge [sflag:s9], $0x4000  }
0x17f: {  	[sflag:s9] =	ssyncset.done $0x0  }
0x180: {  	[sflag:s9] =	ssyncadd.s32 $0xFFFFC000  }
0x181: {  	v0 =	vld [tilespmem:s24+$0x180];
	_ =	sdelay $0x4  }
0x182: {  	v1 =	vand.u32 $0xFFFF, v0  }
0x183: {  	v0 =	vshrl.u32 v0, $0x10;
	[tilespmem:$0x2880] =	vst v1  }
0x184: {  	[tilespmem:$0x2980] =	vst v0  }
0x185: {  	v0 =	vld [tilespmem:s24+$0x190];
	_ =	sdelay $0x4  }
0x186: {  	v57 =	vand.u32 $0xFFFF, v0  }
0x187: {  	v0 =	vshrl.u32 v0, $0x10;
	[tilespmem:$0x2890] =	vst v57  }
0x188: {  	[tilespmem:$0x2990] =	vst v0  }
0x189: {  	v0 =	vld [tilespmem:s24+$0x1A0];
	_ =	sdelay $0x4  }
0x18a: {  	v58 =	vand.u32 $0xFFFF, v0  }
0x18b: {  	v0 =	vshrl.u32 v0, $0x10;
	[tilespmem:$0x28A0] =	vst v58  }
0x18c: {  	[tilespmem:$0x29A0] =	vst v0  }
0x18d: {  	v0 =	vld [tilespmem:s24+$0x1B0];
	_ =	sdelay $0x4  }
0x18e: {  	v59 =	vand.u32 $0xFFFF, v0  }
0x18f: {  	v0 =	vshrl.u32 v0, $0x10;
	[tilespmem:$0x28B0] =	vst v59  }
0x190: {  	[tilespmem:$0x29B0] =	vst v0  }
0x191: {  	v0 =	vld [tilespmem:s24+$0x1C0];
	_ =	sdelay $0x4  }
0x192: {  	v60 =	vand.u32 $0xFFFF, v0  }
0x193: {  	v0 =	vshrl.u32 v0, $0x10;
	[tilespmem:$0x28C0] =	vst v60  }
0x194: {  	[tilespmem:$0x29C0] =	vst v0  }
0x195: {  	v0 =	vld [tilespmem:s24+$0x1D0];
	_ =	sdelay $0x4  }
0x196: {  	v61 =	vand.u32 $0xFFFF, v0  }
0x197: {  	v0 =	vshrl.u32 v0, $0x10;
	[tilespmem:$0x28D0] =	vst v61  }
0x198: {  	[tilespmem:$0x29D0] =	vst v0  }
0x199: {  	v0 =	vld [tilespmem:s24+$0x1E0];
	_ =	sdelay $0x4  }
0x19a: {  	v62 =	vand.u32 $0xFFFF, v0  }
0x19b: {  	v0 =	vshrl.u32 v0, $0x10;
	[tilespmem:$0x28E0] =	vst v62  }
0x19c: {  	[tilespmem:$0x29E0] =	vst v0  }
0x19d: {  	v0 =	vld [tilespmem:s24+$0x1F0];
	_ =	sdelay $0x3  }
.Ltmp5:
0x19e: {  	_ = 	snop;
	(pc) =	sbr.rel .LBB2_2-.Ltmp5, $4  }
0x19f: {  	v63 =	vand.u32 $0xFFFF, v0  }
0x1a0: {  	v0 =	vshrl.u32 v0, $0x10;
	[tilespmem:$0x28F0] =	vst v63  }
0x1a1: {  	s23 =	sadd.s32 $0x1, s23;
	[tilespmem:$0x29F0] =	vst v0  }
0x1a2: {  	[tilespmem:s14], [sflag:$0x2] =	stream.indirect.gather [hbm4b:s4+s10], $0x40, s13, s10, $0xb8;
	[tilespmem:$0x1E600] =	vst v63  }
.LBB2_9:
0x1a3: {  	_ =	sfence.sel $0x180000  }
0x1a4: {  	[bflag:$0x0] =	sbarrier.arrive $0xFFFF  }
0x1a5: {  	p0 =	sne.s32 s0, $0x0;
	_ =	strace $0x90000047  }
0x1a6: {  	s0 =	sadd.s32 @!p0 $0x100000, s1;
	[bflag:$0x2] =	sbarrier.arrive $0xFFFF  }
0x1a7: {  	[sflag:s0] =	ssyncadd.tile.s32 @!p0 $0x1;
	_ =	shalt  }
.Lfunc_end2:
_tile_overlayer_lowered:
.L_overlay_start_2:
0x1a8: {  	(tag) =	ssettag $0x2  }
0x1a9: {  	s0 =	rddreg [dreg:$0x0];
	s2 =	stileid.u32  }
0x1aa: {  	s1 =	rddreg [dreg:$0x1];
	p0 =	sne.s32 s2, $0x0  }
0x1ab: {  	s3 =	rddreg [dreg:$0x2];
	[bflag:$0x3] =	sbarrier.arrive $0xFFFF;
	s2 =	simm.s32 @!p0 $0x1C03  }
0x1ac: {  	[timem:s3], [sflag:s2] =	dma.local @!p0 [hbm:s0], s1  }
0x1ad: {  	s0 =	simm.s32 @!p0 $0x3  }
0x1ae: {  	_ =	swait.ge @!p0 [sflag:s0], s1  }
0x1af: {  	s1 =	ssub.s32 @!p0 $0x0, s1;
	[sflag:s0] =	ssyncset.done @!p0 $0x0  }
0x1b0: {  	[sflag:s0] =	ssyncadd.s32 @!p0 s1  }
0x1b1: {  	[bflag:$0x3] =	sbarrier.arrive $0xFFFF  }
0x1b2: {  	_ =	shalt  }

</sc_bundles>
